<compile_context>
chip_gen: v7x
topology: tpu7x:2x2x1
jax: 0.10.2.dev20260603
libtpu: 0.0.44.dev20260713+nightly
codegen_flags: <defaults>
</compile_context>

<pallas_src>
import jax
import jax.numpy as jnp
from jax import lax
from jax.experimental import pallas as pl
from jax.experimental.pallas import tpu as pltpu
from jax.experimental.pallas import tpu_sc as plsc

_NC = 2
_NS = 16
_NW = _NC * _NS
_C = 128
_K = 8
_EP = 819200
_RW = _EP // (_C * _NW)
_B = 6400
_BR = _B // 8
_NP = 50048


def _gather_body(nf_hbm, src_hbm, out_hbm, idx_v, rows_v, sem):
    c = lax.axis_index("c")
    s = lax.axis_index("s")
    wid = c * _NS + s
    row0 = wid * _RW
    pltpu.sync_copy(src_hbm.at[pl.ds(row0, _RW)], idx_v)

    def step(it, carry):
        base = row0 + it * _K
        cps = [
            pltpu.async_copy(nf_hbm.at[idx_v.at[it * _K + j]],
                             rows_v.at[pl.ds(j * _C, _C)], sem)
            for j in range(_K)
        ]
        for cp in cps:
            cp.wait()
        pltpu.sync_copy(rows_v, out_hbm.at[pl.ds(base * _C, _K * _C)])
        return carry

    lax.fori_loop(0, _RW // _K, step, 0)


def _scatter_body(m_hbm, dst_hbm, z_hbm, out_hbm, acc_sh, idx_v, upd_v):
    c = lax.axis_index("c")
    s = lax.axis_index("s")
    wid = c * _NS + s
    zrows = _NP // _NS
    pltpu.sync_copy(z_hbm.at[pl.ds(s * zrows, zrows)],
                    acc_sh.at[pl.ds(s * zrows, zrows)])
    plsc.subcore_barrier()
    row0 = wid * _RW
    pltpu.sync_copy(dst_hbm.at[pl.ds(row0, _RW)], idx_v)

    def step(it, carry):
        base = row0 + it * _K
        pltpu.sync_copy(m_hbm.at[pl.ds(base * _C, _K * _C)], upd_v)
        for j in range(_K):
            pltpu.sync_copy(upd_v.at[pl.ds(j * _C, _C)],
                            acc_sh.at[idx_v.at[it * _K + j]], add=True)
        return carry

    lax.fori_loop(0, _RW // _K, step, 0)
    plsc.subcore_barrier()
    pltpu.sync_copy(acc_sh.at[pl.ds(s * zrows, zrows)],
                    out_hbm.at[pl.ds(c * _NP + s * zrows, zrows)])


def _msg_body(h_ref, ef_ref, t_ref, r_ref, s_ref, out_ref):
    hp = h_ref[...].astype(jnp.bfloat16)
    efp = ef_ref[...].astype(jnp.bfloat16)
    h2k = jax.lax.dot_general(
        hp, t_ref[...], (((1,), (0,)), ((), ())),
        preferred_element_type=jnp.float32).astype(jnp.bfloat16)
    ef2k = jax.lax.dot_general(
        efp, r_ref[...], (((1,), (0,)), ((), ())),
        preferred_element_type=jnp.float32).astype(jnp.bfloat16)
    q = h2k * ef2k
    out_ref[...] = jax.lax.dot_general(
        q, s_ref[...], (((1,), (0,)), ((), ())),
        preferred_element_type=jnp.float32)


def _comb_body(p0_ref, p1_ref, b_ref, o_ref):
    o_ref[...] = p0_ref[...] + p1_ref[...] + b_ref[...]


def kernel(nf, initial_ef, W_edge, b_edge, bias, g):
    N, HID = nf.shape
    E = initial_ef.shape[0]
    pad = _EP - E

    spread = jnp.arange(pad, dtype=jnp.int32)
    src_p = jnp.concatenate(
        [g[0], spread % N]).reshape(_EP // _C, _C)
    dst_p = jnp.concatenate(
        [g[1], N + spread % (_NP - N)]).reshape(_EP // _C, _C)

    w2 = W_edge.reshape(HID * HID, HID).astype(jnp.bfloat16)
    repl = jnp.repeat(jnp.eye(HID, dtype=jnp.bfloat16), HID, axis=1)
    tile_eye = jnp.tile(jnp.eye(HID, dtype=jnp.bfloat16), (1, HID))
    eye8 = jnp.eye(8, dtype=jnp.bfloat16)
    tbig = jnp.kron(eye8, tile_eye)
    rbig = jnp.kron(eye8, repl)
    sbig = jnp.kron(eye8, w2)
    zacc = jnp.zeros((_NP, HID), jnp.float32)

    mesh = plsc.VectorSubcoreMesh(core_axis_name="c", subcore_axis_name="s")
    sc_params = pltpu.CompilerParams(use_tc_tiling_on_sc=False)

    gather = pl.kernel(
        _gather_body,
        out_type=jax.ShapeDtypeStruct((_EP, HID), jnp.float32),
        mesh=mesh,
        compiler_params=sc_params,
        scratch_types=[
            pltpu.VMEM((_RW, _C), jnp.int32),
            pltpu.VMEM((_K * _C, HID), jnp.float32),
            pltpu.SemaphoreType.DMA,
        ],
    )
    h_src = gather(nf, src_p)

    n_real = E // _B - 1
    msgs = pl.pallas_call(
        _msg_body,
        grid=(_EP // _B,),
        in_specs=[
            pl.BlockSpec((_BR, 128), lambda i: (i, 0)),
            pl.BlockSpec((_BR, 128),
                         lambda i: (jnp.minimum(i, n_real), 0)),
            pl.BlockSpec((128, 2048), lambda i: (0, 0)),
            pl.BlockSpec((128, 2048), lambda i: (0, 0)),
            pl.BlockSpec((2048, 128), lambda i: (0, 0)),
        ],
        out_specs=pl.BlockSpec((_BR, 128), lambda i: (i, 0)),
        out_shape=jax.ShapeDtypeStruct((_EP // 8, 128), jnp.float32),
    )
    m = msgs(h_src.reshape(_EP // 8, 128), initial_ef.reshape(E // 8, 128),
             tbig, rbig, sbig).reshape(_EP, HID)

    scatter = pl.kernel(
        _scatter_body,
        out_type=jax.ShapeDtypeStruct((2 * _NP, HID), jnp.float32),
        mesh=mesh,
        compiler_params=sc_params,
        scratch_types=[
            pltpu.VMEM_SHARED((_NP, HID), jnp.float32),
            pltpu.VMEM((_RW, _C), jnp.int32),
            pltpu.VMEM((_K * _C, HID), jnp.float32),
        ],
    )
    parts = scatter(m, dst_p, zacc)

    comb = pl.pallas_call(
        _comb_body,
        grid=(1,),
        in_specs=[
            pl.BlockSpec((N // 8, 128), lambda i: (0, 0)),
            pl.BlockSpec((N // 8, 128), lambda i: (0, 0)),
            pl.BlockSpec((1, 128), lambda i: (0, 0)),
        ],
        out_specs=pl.BlockSpec((N // 8, 128), lambda i: (0, 0)),
        out_shape=jax.ShapeDtypeStruct((N // 8, 128), jnp.float32),
    )
    out = comb(parts[:N].reshape(N // 8, 128),
               parts[_NP:_NP + N].reshape(N // 8, 128),
               jnp.tile(bias, 8).reshape(1, 128))
    return out.reshape(N, HID)

# --- scband reference (transcript-rebuilt; emitter-appended) ---
"""Pipeline reference for scband-dgl-mpnnlayer-26465588478284 (READ-ONLY COPY).

The authoritative reference and input builder live on the scoring server;
editing this copy changes nothing except your own understanding.
"""

import jax, jax.numpy as jnp
import numpy as np

N = 50000
E = 800000
HID = 16
D_EDGE = 16


def setup_inputs(seed: int = 0) -> dict:
    key = jax.random.key(seed)
    k1, k2, k3, k4, k5, k6 = jax.random.split(key, 6)
    g = jax.random.randint(k1, (2, E), 0, N, dtype=jnp.int32)
    nf = jax.random.normal(k2, (N, HID), dtype=jnp.float32)
    initial_ef = jax.random.normal(k3, (E, D_EDGE), dtype=jnp.float32)
    # edge_func = nn.Linear(D_EDGE, HID*HID)
    W_edge = jax.random.normal(k4, (D_EDGE, HID * HID), dtype=jnp.float32) * (1.0 / np.sqrt(D_EDGE))
    b_edge = jnp.zeros((HID * HID,), dtype=jnp.float32)
    # NNConv output bias
    bias = jnp.zeros((HID,), dtype=jnp.float32)
    return {"nf": nf, "initial_ef": initial_ef, "W_edge": W_edge, "b_edge": b_edge, "bias": bias, "g": g}


def reference(nf, initial_ef, W_edge, b_edge, bias, g):
    # DGL NNConv with aggregator='sum', residual=False, bias=True.
    src = g[0]
    dst = g[1]
    # edge_func: per-edge weight matrix [E, HID, HID]
    w = initial_ef @ W_edge + b_edge            # [E, HID*HID]
    w = w.reshape(E, HID, HID)                   # [E, in, out]
    # gather source node features per edge
    h_src = jnp.take(nf, src, axis=0)            # [E, HID]
    # message: h_src[e] @ W_e  (equiv. to (h.unsqueeze(-1) * w).sum(dim=1))
    m = jnp.einsum('ei,eio->eo', h_src, w)       # [E, HID]
    # sum-aggregate messages at destination nodes (scatter-add)
    neigh = jax.ops.segment_sum(m, dst, num_segments=N)  # [N, HID]
    out = neigh + bias
    return out

if __name__ == "__main__":
    import jax
    _d = setup_inputs()
    print(jax.jit(kernel)(*tuple(_d.values())))

</pallas_src>

<mosaic_0001>
#map = affine_map<(d0, d1) -> (0, 0)>
module attributes {stable_mosaic.version = 14 : i64} {
  func.func @_scatter_body(%arg0: i32, %arg1: i32, %arg2: memref<819200x16xf32, #tpu.memory_space<hbm>>, %arg3: memref<6400x128xi32, #tpu.memory_space<hbm>>, %arg4: memref<50048x16xf32, #tpu.memory_space<hbm>>, %arg5: memref<100096x16xf32, #tpu.memory_space<hbm>>, %arg6: memref<50048x16xf32, #tpu.memory_space<vmem_shared>>, %arg7: memref<200x128xi32, #tpu.memory_space<vmem>>, %arg8: memref<1024x16xf32, #tpu.memory_space<vmem>>) attributes {dimension_semantics = [#tpu.dimension_semantics<core_parallel>, #tpu.dimension_semantics<subcore_parallel>], iteration_bounds = array<i64: 2, 16>, scalar_prefetch = 0 : i64, scratch_operands = 3 : i64, tpu.core_type = #tpu.core_type<sc_vector_subcore>, window_params = [{transform_indices = #map}, {transform_indices = #map}, {transform_indices = #map}, {transform_indices = #map}]} {
    %mul3A = arith.constant 16 : i32
    %mul3A_0 = arith.muli %arg0, %mul3A : i32
    %add3A = arith.addi %mul3A_0, %arg1 : i32
    %mul3A_1 = arith.constant 3128 : i32
    %mul3A_2 = arith.muli %arg1, %mul3A_1 : i32
    %mul3A_3 = arith.constant 3128 : i32
    %mul3A_4 = arith.muli %arg1, %mul3A_3 : i32
    "tpu.region"() ({
      %run_scoped3A = tpu.sem_alloc : memref<!tpu.dma_semaphore, #tpu.memory_space<semaphore_mem>>
      %dma_start3A = arith.constant 0 : i32
      %dma_start3A_20 = tpu.memref_slice %arg6[%mul3A_4, %dma_start3A] : memref<50048x16xf32, #tpu.memory_space<vmem_shared>> -> memref<3128x16xf32, #tpu.memory_space<vmem_shared>>
      %dma_start3A_21 = arith.constant 0 : i32
      %dma_start3A_22 = tpu.memref_slice %arg4[%mul3A_2, %dma_start3A_21] : memref<50048x16xf32, #tpu.memory_space<hbm>> -> memref<3128x16xf32, #tpu.memory_space<hbm>>
      tpu.enqueue_dma source(%dma_start3A_22 : memref<3128x16xf32, #tpu.memory_space<hbm>>) target(%dma_start3A_20 : memref<3128x16xf32, #tpu.memory_space<vmem_shared>>) target_semaphore(%run_scoped3A : memref<!tpu.dma_semaphore, #tpu.memory_space<semaphore_mem>>)
      %dma_wait3A = arith.constant 0 : i32
      %dma_wait3A_23 = tpu.memref_slice %arg6[%mul3A_4, %dma_wait3A] : memref<50048x16xf32, #tpu.memory_space<vmem_shared>> -> memref<3128x16xf32, #tpu.memory_space<vmem_shared>>
      %dma_wait3A_24 = arith.constant 0 : i32
      %dma_wait3A_25 = tpu.memref_slice %arg4[%mul3A_2, %dma_wait3A_24] : memref<50048x16xf32, #tpu.memory_space<hbm>> -> memref<3128x16xf32, #tpu.memory_space<hbm>>
      tpu.wait_dma2 semaphore(%run_scoped3A : memref<!tpu.dma_semaphore, #tpu.memory_space<semaphore_mem>>) src(%dma_wait3A_25 : memref<3128x16xf32, #tpu.memory_space<hbm>>) dst(%dma_wait3A_23 : memref<3128x16xf32, #tpu.memory_space<vmem_shared>>)
      tpu.yield
    }) : () -> ()
    %barrier3A = arith.constant 0 : index
    tpu.barrier barrier_id(%barrier3A)
    %mul3A_5 = arith.constant 200 : i32
    %mul3A_6 = arith.muli %add3A, %mul3A_5 : i32
    "tpu.region"() ({
      %run_scoped3A = tpu.sem_alloc : memref<!tpu.dma_semaphore, #tpu.memory_space<semaphore_mem>>
      %dma_start3A = arith.constant 0 : i32
      %dma_start3A_20 = tpu.memref_slice %arg3[%mul3A_6, %dma_start3A] : memref<6400x128xi32, #tpu.memory_space<hbm>> -> memref<200x128xi32, #tpu.memory_space<hbm>>
      %dma_start3A_21 = arith.constant 0 : i32
      %dma_start3A_22 = tpu.memref_slice %arg3[%mul3A_6, %dma_start3A_21] : memref<6400x128xi32, #tpu.memory_space<hbm>> -> memref<200x128xi32, #tpu.memory_space<hbm>>
      tpu.enqueue_dma source(%dma_start3A_22 : memref<200x128xi32, #tpu.memory_space<hbm>>) target(%arg7 : memref<200x128xi32, #tpu.memory_space<vmem>>) target_semaphore(%run_scoped3A : memref<!tpu.dma_semaphore, #tpu.memory_space<semaphore_mem>>)
      %dma_wait3A = arith.constant 0 : i32
      %dma_wait3A_23 = tpu.memref_slice %arg3[%mul3A_6, %dma_wait3A] : memref<6400x128xi32, #tpu.memory_space<hbm>> -> memref<200x128xi32, #tpu.memory_space<hbm>>
      %dma_wait3A_24 = arith.constant 0 : i32
      %dma_wait3A_25 = tpu.memref_slice %arg3[%mul3A_6, %dma_wait3A_24] : memref<6400x128xi32, #tpu.memory_space<hbm>> -> memref<200x128xi32, #tpu.memory_space<hbm>>
      tpu.wait_dma2 semaphore(%run_scoped3A : memref<!tpu.dma_semaphore, #tpu.memory_space<semaphore_mem>>) src(%dma_wait3A_25 : memref<200x128xi32, #tpu.memory_space<hbm>>) dst(%arg7 : memref<200x128xi32, #tpu.memory_space<vmem>>)
      tpu.yield
    }) : () -> ()
    %scan3A = arith.constant 0 : i32
    %scan3A_7 = arith.constant 0 : i32
    %scan3A_8 = arith.constant 25 : i32
    %scan3A_9 = arith.addi %scan3A_7, %scan3A_8 : i32
    %scan3A_10 = arith.constant 1 : i32
    scf.for %scan3A_20 = %scan3A_7 to %scan3A_9 step %scan3A_10  : i32 {
      %mul3A_21 = arith.constant 8 : i32
      %mul3A_22 = arith.muli %scan3A_20, %mul3A_21 : i32
      %add3A_23 = arith.addi %mul3A_6, %mul3A_22 : i32
      %mul3A_24 = arith.constant 128 : i32
      %mul3A_25 = arith.muli %add3A_23, %mul3A_24 : i32
      "tpu.region"() ({
        %run_scoped3A = tpu.sem_alloc : memref<!tpu.dma_semaphore, #tpu.memory_space<semaphore_mem>>
        %dma_start3A = arith.constant 0 : i32
        %dma_start3A_58 = tpu.memref_slice %arg2[%mul3A_25, %dma_start3A] : memref<819200x16xf32, #tpu.memory_space<hbm>> -> memref<1024x16xf32, #tpu.memory_space<hbm>>
        %dma_start3A_59 = arith.constant 0 : i32
        %dma_start3A_60 = tpu.memref_slice %arg2[%mul3A_25, %dma_start3A_59] : memref<819200x16xf32, #tpu.memory_space<hbm>> -> memref<1024x16xf32, #tpu.memory_space<hbm>>
        tpu.enqueue_dma source(%dma_start3A_60 : memref<1024x16xf32, #tpu.memory_space<hbm>>) target(%arg8 : memref<1024x16xf32, #tpu.memory_space<vmem>>) target_semaphore(%run_scoped3A : memref<!tpu.dma_semaphore, #tpu.memory_space<semaphore_mem>>)
        %dma_wait3A = arith.constant 0 : i32
        %dma_wait3A_61 = tpu.memref_slice %arg2[%mul3A_25, %dma_wait3A] : memref<819200x16xf32, #tpu.memory_space<hbm>> -> memref<1024x16xf32, #tpu.memory_space<hbm>>
        %dma_wait3A_62 = arith.constant 0 : i32
        %dma_wait3A_63 = tpu.memref_slice %arg2[%mul3A_25, %dma_wait3A_62] : memref<819200x16xf32, #tpu.memory_space<hbm>> -> memref<1024x16xf32, #tpu.memory_space<hbm>>
        tpu.wait_dma2 semaphore(%run_scoped3A : memref<!tpu.dma_semaphore, #tpu.memory_space<semaphore_mem>>) src(%dma_wait3A_63 : memref<1024x16xf32, #tpu.memory_space<hbm>>) dst(%arg8 : memref<1024x16xf32, #tpu.memory_space<vmem>>)
        tpu.yield
      }) : () -> ()
      %mul3A_26 = arith.constant 8 : i32
      %mul3A_27 = arith.muli %scan3A_20, %mul3A_26 : i32
      %add3A_28 = arith.constant 0 : i32
      %add3A_29 = arith.addi %mul3A_27, %add3A_28 : i32
      "tpu.region"() ({
        %run_scoped3A = tpu.sem_alloc : memref<!tpu.dma_semaphore, #tpu.memory_space<semaphore_mem>>
        %dma_start3A = arith.constant 0 : i32
        %dma_start3A_58 = arith.constant 0 : i32
        %dma_start3A_59 = tpu.memref_slice %arg8[%dma_start3A, %dma_start3A_58] : memref<1024x16xf32, #tpu.memory_space<vmem>> -> memref<128x16xf32, #tpu.memory_space<vmem>>
        %dma_start3A_60 = arith.constant 0 : i32
        %dma_start3A_61 = tpu.memref_slice %arg7[%add3A_29, %dma_start3A_60] : memref<200x128xi32, #tpu.memory_space<vmem>> -> memref<1x128xi32, #tpu.memory_space<vmem>>
        %dma_start3A_62 = tpu.memref_squeeze %dma_start3A_61 : memref<1x128xi32, #tpu.memory_space<vmem>> -> memref<128xi32, #tpu.memory_space<vmem>>
        %dma_start3A_63 = arith.constant 0 : i32
        %dma_start3A_64 = arith.constant 0 : i32
        %dma_start3A_65 = tpu.memref_slice %arg6[%dma_start3A_63, %dma_start3A_64] : memref<50048x16xf32, #tpu.memory_space<vmem_shared>> -> memref<50048x16xf32, #tpu.memory_space<vmem_shared>>
        tpu.enqueue_indirect_dma source(%dma_start3A_59 : memref<128x16xf32, #tpu.memory_space<vmem>>) target(%dma_start3A_65 : memref<50048x16xf32, #tpu.memory_space<vmem_shared>>) offsets(%dma_start3A_62 : memref<128xi32, #tpu.memory_space<vmem>>) semaphore(%run_scoped3A : memref<!tpu.dma_semaphore, #tpu.memory_space<semaphore_mem>>) {add = true}
        %dma_wait3A = arith.constant 0 : i32
        %dma_wait3A_66 = arith.constant 0 : i32
        %dma_wait3A_67 = tpu.memref_slice %arg8[%dma_wait3A, %dma_wait3A_66] : memref<1024x16xf32, #tpu.memory_space<vmem>> -> memref<128x16xf32, #tpu.memory_space<vmem>>
        %dma_wait3A_68 = arith.constant 0 : i32
        %dma_wait3A_69 = tpu.memref_slice %arg7[%add3A_29, %dma_wait3A_68] : memref<200x128xi32, #tpu.memory_space<vmem>> -> memref<1x128xi32, #tpu.memory_space<vmem>>
        %dma_wait3A_70 = tpu.memref_squeeze %dma_wait3A_69 : memref<1x128xi32, #tpu.memory_space<vmem>> -> memref<128xi32, #tpu.memory_space<vmem>>
        %dma_wait3A_71 = arith.constant 0 : i32
        %dma_wait3A_72 = arith.constant 0 : i32
        %dma_wait3A_73 = tpu.memref_slice %arg6[%dma_wait3A_71, %dma_wait3A_72] : memref<50048x16xf32, #tpu.memory_space<vmem_shared>> -> memref<50048x16xf32, #tpu.memory_space<vmem_shared>>
        tpu.wait_indirect_dma semaphore(%run_scoped3A : memref<!tpu.dma_semaphore, #tpu.memory_space<semaphore_mem>>) src(%dma_wait3A_67 : memref<128x16xf32, #tpu.memory_space<vmem>>) dst(%dma_wait3A_73 : memref<50048x16xf32, #tpu.memory_space<vmem_shared>>)
        tpu.yield
      }) : () -> ()
      %mul3A_30 = arith.constant 8 : i32
      %mul3A_31 = arith.muli %scan3A_20, %mul3A_30 : i32
      %add3A_32 = arith.constant 1 : i32
      %add3A_33 = arith.addi %mul3A_31, %add3A_32 : i32
      "tpu.region"() ({
        %run_scoped3A = tpu.sem_alloc : memref<!tpu.dma_semaphore, #tpu.memory_space<semaphore_mem>>
        %dma_start3A = arith.constant 128 : i32
        %dma_start3A_58 = arith.constant 0 : i32
        %dma_start3A_59 = tpu.memref_slice %arg8[%dma_start3A, %dma_start3A_58] : memref<1024x16xf32, #tpu.memory_space<vmem>> -> memref<128x16xf32, #tpu.memory_space<vmem>>
        %dma_start3A_60 = arith.constant 0 : i32
        %dma_start3A_61 = tpu.memref_slice %arg7[%add3A_33, %dma_start3A_60] : memref<200x128xi32, #tpu.memory_space<vmem>> -> memref<1x128xi32, #tpu.memory_space<vmem>>
        %dma_start3A_62 = tpu.memref_squeeze %dma_start3A_61 : memref<1x128xi32, #tpu.memory_space<vmem>> -> memref<128xi32, #tpu.memory_space<vmem>>
        %dma_start3A_63 = arith.constant 0 : i32
        %dma_start3A_64 = arith.constant 0 : i32
        %dma_start3A_65 = tpu.memref_slice %arg6[%dma_start3A_63, %dma_start3A_64] : memref<50048x16xf32, #tpu.memory_space<vmem_shared>> -> memref<50048x16xf32, #tpu.memory_space<vmem_shared>>
        tpu.enqueue_indirect_dma source(%dma_start3A_59 : memref<128x16xf32, #tpu.memory_space<vmem>>) target(%dma_start3A_65 : memref<50048x16xf32, #tpu.memory_space<vmem_shared>>) offsets(%dma_start3A_62 : memref<128xi32, #tpu.memory_space<vmem>>) semaphore(%run_scoped3A : memref<!tpu.dma_semaphore, #tpu.memory_space<semaphore_mem>>) {add = true}
        %dma_wait3A = arith.constant 128 : i32
        %dma_wait3A_66 = arith.constant 0 : i32
        %dma_wait3A_67 = tpu.memref_slice %arg8[%dma_wait3A, %dma_wait3A_66] : memref<1024x16xf32, #tpu.memory_space<vmem>> -> memref<128x16xf32, #tpu.memory_space<vmem>>
        %dma_wait3A_68 = arith.constant 0 : i32
        %dma_wait3A_69 = tpu.memref_slice %arg7[%add3A_33, %dma_wait3A_68] : memref<200x128xi32, #tpu.memory_space<vmem>> -> memref<1x128xi32, #tpu.memory_space<vmem>>
        %dma_wait3A_70 = tpu.memref_squeeze %dma_wait3A_69 : memref<1x128xi32, #tpu.memory_space<vmem>> -> memref<128xi32, #tpu.memory_space<vmem>>
        %dma_wait3A_71 = arith.constant 0 : i32
        %dma_wait3A_72 = arith.constant 0 : i32
        %dma_wait3A_73 = tpu.memref_slice %arg6[%dma_wait3A_71, %dma_wait3A_72] : memref<50048x16xf32, #tpu.memory_space<vmem_shared>> -> memref<50048x16xf32, #tpu.memory_space<vmem_shared>>
        tpu.wait_indirect_dma semaphore(%run_scoped3A : memref<!tpu.dma_semaphore, #tpu.memory_space<semaphore_mem>>) src(%dma_wait3A_67 : memref<128x16xf32, #tpu.memory_space<vmem>>) dst(%dma_wait3A_73 : memref<50048x16xf32, #tpu.memory_space<vmem_shared>>)
        tpu.yield
      }) : () -> ()
      %mul3A_34 = arith.constant 8 : i32
      %mul3A_35 = arith.muli %scan3A_20, %mul3A_34 : i32
      %add3A_36 = arith.constant 2 : i32
      %add3A_37 = arith.addi %mul3A_35, %add3A_36 : i32
      "tpu.region"() ({
        %run_scoped3A = tpu.sem_alloc : memref<!tpu.dma_semaphore, #tpu.memory_space<semaphore_mem>>
        %dma_start3A = arith.constant 256 : i32
        %dma_start3A_58 = arith.constant 0 : i32
        %dma_start3A_59 = tpu.memref_slice %arg8[%dma_start3A, %dma_start3A_58] : memref<1024x16xf32, #tpu.memory_space<vmem>> -> memref<128x16xf32, #tpu.memory_space<vmem>>
        %dma_start3A_60 = arith.constant 0 : i32
        %dma_start3A_61 = tpu.memref_slice %arg7[%add3A_37, %dma_start3A_60] : memref<200x128xi32, #tpu.memory_space<vmem>> -> memref<1x128xi32, #tpu.memory_space<vmem>>
        %dma_start3A_62 = tpu.memref_squeeze %dma_start3A_61 : memref<1x128xi32, #tpu.memory_space<vmem>> -> memref<128xi32, #tpu.memory_space<vmem>>
        %dma_start3A_63 = arith.constant 0 : i32
        %dma_start3A_64 = arith.constant 0 : i32
        %dma_start3A_65 = tpu.memref_slice %arg6[%dma_start3A_63, %dma_start3A_64] : memref<50048x16xf32, #tpu.memory_space<vmem_shared>> -> memref<50048x16xf32, #tpu.memory_space<vmem_shared>>
        tpu.enqueue_indirect_dma source(%dma_start3A_59 : memref<128x16xf32, #tpu.memory_space<vmem>>) target(%dma_start3A_65 : memref<50048x16xf32, #tpu.memory_space<vmem_shared>>) offsets(%dma_start3A_62 : memref<128xi32, #tpu.memory_space<vmem>>) semaphore(%run_scoped3A : memref<!tpu.dma_semaphore, #tpu.memory_space<semaphore_mem>>) {add = true}
        %dma_wait3A = arith.constant 256 : i32
        %dma_wait3A_66 = arith.constant 0 : i32
        %dma_wait3A_67 = tpu.memref_slice %arg8[%dma_wait3A, %dma_wait3A_66] : memref<1024x16xf32, #tpu.memory_space<vmem>> -> memref<128x16xf32, #tpu.memory_space<vmem>>
        %dma_wait3A_68 = arith.constant 0 : i32
        %dma_wait3A_69 = tpu.memref_slice %arg7[%add3A_37, %dma_wait3A_68] : memref<200x128xi32, #tpu.memory_space<vmem>> -> memref<1x128xi32, #tpu.memory_space<vmem>>
        %dma_wait3A_70 = tpu.memref_squeeze %dma_wait3A_69 : memref<1x128xi32, #tpu.memory_space<vmem>> -> memref<128xi32, #tpu.memory_space<vmem>>
        %dma_wait3A_71 = arith.constant 0 : i32
        %dma_wait3A_72 = arith.constant 0 : i32
        %dma_wait3A_73 = tpu.memref_slice %arg6[%dma_wait3A_71, %dma_wait3A_72] : memref<50048x16xf32, #tpu.memory_space<vmem_shared>> -> memref<50048x16xf32, #tpu.memory_space<vmem_shared>>
        tpu.wait_indirect_dma semaphore(%run_scoped3A : memref<!tpu.dma_semaphore, #tpu.memory_space<semaphore_mem>>) src(%dma_wait3A_67 : memref<128x16xf32, #tpu.memory_space<vmem>>) dst(%dma_wait3A_73 : memref<50048x16xf32, #tpu.memory_space<vmem_shared>>)
        tpu.yield
      }) : () -> ()
      %mul3A_38 = arith.constant 8 : i32
      %mul3A_39 = arith.muli %scan3A_20, %mul3A_38 : i32
      %add3A_40 = arith.constant 3 : i32
      %add3A_41 = arith.addi %mul3A_39, %add3A_40 : i32
      "tpu.region"() ({
        %run_scoped3A = tpu.sem_alloc : memref<!tpu.dma_semaphore, #tpu.memory_space<semaphore_mem>>
        %dma_start3A = arith.constant 384 : i32
        %dma_start3A_58 = arith.constant 0 : i32
        %dma_start3A_59 = tpu.memref_slice %arg8[%dma_start3A, %dma_start3A_58] : memref<1024x16xf32, #tpu.memory_space<vmem>> -> memref<128x16xf32, #tpu.memory_space<vmem>>
        %dma_start3A_60 = arith.constant 0 : i32
        %dma_start3A_61 = tpu.memref_slice %arg7[%add3A_41, %dma_start3A_60] : memref<200x128xi32, #tpu.memory_space<vmem>> -> memref<1x128xi32, #tpu.memory_space<vmem>>
        %dma_start3A_62 = tpu.memref_squeeze %dma_start3A_61 : memref<1x128xi32, #tpu.memory_space<vmem>> -> memref<128xi32, #tpu.memory_space<vmem>>
        %dma_start3A_63 = arith.constant 0 : i32
        %dma_start3A_64 = arith.constant 0 : i32
        %dma_start3A_65 = tpu.memref_slice %arg6[%dma_start3A_63, %dma_start3A_64] : memref<50048x16xf32, #tpu.memory_space<vmem_shared>> -> memref<50048x16xf32, #tpu.memory_space<vmem_shared>>
        tpu.enqueue_indirect_dma source(%dma_start3A_59 : memref<128x16xf32, #tpu.memory_space<vmem>>) target(%dma_start3A_65 : memref<50048x16xf32, #tpu.memory_space<vmem_shared>>) offsets(%dma_start3A_62 : memref<128xi32, #tpu.memory_space<vmem>>) semaphore(%run_scoped3A : memref<!tpu.dma_semaphore, #tpu.memory_space<semaphore_mem>>) {add = true}
        %dma_wait3A = arith.constant 384 : i32
        %dma_wait3A_66 = arith.constant 0 : i32
        %dma_wait3A_67 = tpu.memref_slice %arg8[%dma_wait3A, %dma_wait3A_66] : memref<1024x16xf32, #tpu.memory_space<vmem>> -> memref<128x16xf32, #tpu.memory_space<vmem>>
        %dma_wait3A_68 = arith.constant 0 : i32
        %dma_wait3A_69 = tpu.memref_slice %arg7[%add3A_41, %dma_wait3A_68] : memref<200x128xi32, #tpu.memory_space<vmem>> -> memref<1x128xi32, #tpu.memory_space<vmem>>
        %dma_wait3A_70 = tpu.memref_squeeze %dma_wait3A_69 : memref<1x128xi32, #tpu.memory_space<vmem>> -> memref<128xi32, #tpu.memory_space<vmem>>
        %dma_wait3A_71 = arith.constant 0 : i32
        %dma_wait3A_72 = arith.constant 0 : i32
        %dma_wait3A_73 = tpu.memref_slice %arg6[%dma_wait3A_71, %dma_wait3A_72] : memref<50048x16xf32, #tpu.memory_space<vmem_shared>> -> memref<50048x16xf32, #tpu.memory_space<vmem_shared>>
        tpu.wait_indirect_dma semaphore(%run_scoped3A : memref<!tpu.dma_semaphore, #tpu.memory_space<semaphore_mem>>) src(%dma_wait3A_67 : memref<128x16xf32, #tpu.memory_space<vmem>>) dst(%dma_wait3A_73 : memref<50048x16xf32, #tpu.memory_space<vmem_shared>>)
        tpu.yield
      }) : () -> ()
      %mul3A_42 = arith.constant 8 : i32
      %mul3A_43 = arith.muli %scan3A_20, %mul3A_42 : i32
      %add3A_44 = arith.constant 4 : i32
      %add3A_45 = arith.addi %mul3A_43, %add3A_44 : i32
      "tpu.region"() ({
        %run_scoped3A = tpu.sem_alloc : memref<!tpu.dma_semaphore, #tpu.memory_space<semaphore_mem>>
        %dma_start3A = arith.constant 512 : i32
        %dma_start3A_58 = arith.constant 0 : i32
        %dma_start3A_59 = tpu.memref_slice %arg8[%dma_start3A, %dma_start3A_58] : memref<1024x16xf32, #tpu.memory_space<vmem>> -> memref<128x16xf32, #tpu.memory_space<vmem>>
        %dma_start3A_60 = arith.constant 0 : i32
        %dma_start3A_61 = tpu.memref_slice %arg7[%add3A_45, %dma_start3A_60] : memref<200x128xi32, #tpu.memory_space<vmem>> -> memref<1x128xi32, #tpu.memory_space<vmem>>
        %dma_start3A_62 = tpu.memref_squeeze %dma_start3A_61 : memref<1x128xi32, #tpu.memory_space<vmem>> -> memref<128xi32, #tpu.memory_space<vmem>>
        %dma_start3A_63 = arith.constant 0 : i32
        %dma_start3A_64 = arith.constant 0 : i32
        %dma_start3A_65 = tpu.memref_slice %arg6[%dma_start3A_63, %dma_start3A_64] : memref<50048x16xf32, #tpu.memory_space<vmem_shared>> -> memref<50048x16xf32, #tpu.memory_space<vmem_shared>>
        tpu.enqueue_indirect_dma source(%dma_start3A_59 : memref<128x16xf32, #tpu.memory_space<vmem>>) target(%dma_start3A_65 : memref<50048x16xf32, #tpu.memory_space<vmem_shared>>) offsets(%dma_start3A_62 : memref<128xi32, #tpu.memory_space<vmem>>) semaphore(%run_scoped3A : memref<!tpu.dma_semaphore, #tpu.memory_space<semaphore_mem>>) {add = true}
        %dma_wait3A = arith.constant 512 : i32
        %dma_wait3A_66 = arith.constant 0 : i32
        %dma_wait3A_67 = tpu.memref_slice %arg8[%dma_wait3A, %dma_wait3A_66] : memref<1024x16xf32, #tpu.memory_space<vmem>> -> memref<128x16xf32, #tpu.memory_space<vmem>>
        %dma_wait3A_68 = arith.constant 0 : i32
        %dma_wait3A_69 = tpu.memref_slice %arg7[%add3A_45, %dma_wait3A_68] : memref<200x128xi32, #tpu.memory_space<vmem>> -> memref<1x128xi32, #tpu.memory_space<vmem>>
        %dma_wait3A_70 = tpu.memref_squeeze %dma_wait3A_69 : memref<1x128xi32, #tpu.memory_space<vmem>> -> memref<128xi32, #tpu.memory_space<vmem>>
        %dma_wait3A_71 = arith.constant 0 : i32
        %dma_wait3A_72 = arith.constant 0 : i32
        %dma_wait3A_73 = tpu.memref_slice %arg6[%dma_wait3A_71, %dma_wait3A_72] : memref<50048x16xf32, #tpu.memory_space<vmem_shared>> -> memref<50048x16xf32, #tpu.memory_space<vmem_shared>>
        tpu.wait_indirect_dma semaphore(%run_scoped3A : memref<!tpu.dma_semaphore, #tpu.memory_space<semaphore_mem>>) src(%dma_wait3A_67 : memref<128x16xf32, #tpu.memory_space<vmem>>) dst(%dma_wait3A_73 : memref<50048x16xf32, #tpu.memory_space<vmem_shared>>)
        tpu.yield
      }) : () -> ()
      %mul3A_46 = arith.constant 8 : i32
      %mul3A_47 = arith.muli %scan3A_20, %mul3A_46 : i32
      %add3A_48 = arith.constant 5 : i32
      %add3A_49 = arith.addi %mul3A_47, %add3A_48 : i32
      "tpu.region"() ({
        %run_scoped3A = tpu.sem_alloc : memref<!tpu.dma_semaphore, #tpu.memory_space<semaphore_mem>>
        %dma_start3A = arith.constant 640 : i32
        %dma_start3A_58 = arith.constant 0 : i32
        %dma_start3A_59 = tpu.memref_slice %arg8[%dma_start3A, %dma_start3A_58] : memref<1024x16xf32, #tpu.memory_space<vmem>> -> memref<128x16xf32, #tpu.memory_space<vmem>>
        %dma_start3A_60 = arith.constant 0 : i32
        %dma_start3A_61 = tpu.memref_slice %arg7[%add3A_49, %dma_start3A_60] : memref<200x128xi32, #tpu.memory_space<vmem>> -> memref<1x128xi32, #tpu.memory_space<vmem>>
        %dma_start3A_62 = tpu.memref_squeeze %dma_start3A_61 : memref<1x128xi32, #tpu.memory_space<vmem>> -> memref<128xi32, #tpu.memory_space<vmem>>
        %dma_start3A_63 = arith.constant 0 : i32
        %dma_start3A_64 = arith.constant 0 : i32
        %dma_start3A_65 = tpu.memref_slice %arg6[%dma_start3A_63, %dma_start3A_64] : memref<50048x16xf32, #tpu.memory_space<vmem_shared>> -> memref<50048x16xf32, #tpu.memory_space<vmem_shared>>
        tpu.enqueue_indirect_dma source(%dma_start3A_59 : memref<128x16xf32, #tpu.memory_space<vmem>>) target(%dma_start3A_65 : memref<50048x16xf32, #tpu.memory_space<vmem_shared>>) offsets(%dma_start3A_62 : memref<128xi32, #tpu.memory_space<vmem>>) semaphore(%run_scoped3A : memref<!tpu.dma_semaphore, #tpu.memory_space<semaphore_mem>>) {add = true}
        %dma_wait3A = arith.constant 640 : i32
        %dma_wait3A_66 = arith.constant 0 : i32
        %dma_wait3A_67 = tpu.memref_slice %arg8[%dma_wait3A, %dma_wait3A_66] : memref<1024x16xf32, #tpu.memory_space<vmem>> -> memref<128x16xf32, #tpu.memory_space<vmem>>
        %dma_wait3A_68 = arith.constant 0 : i32
        %dma_wait3A_69 = tpu.memref_slice %arg7[%add3A_49, %dma_wait3A_68] : memref<200x128xi32, #tpu.memory_space<vmem>> -> memref<1x128xi32, #tpu.memory_space<vmem>>
        %dma_wait3A_70 = tpu.memref_squeeze %dma_wait3A_69 : memref<1x128xi32, #tpu.memory_space<vmem>> -> memref<128xi32, #tpu.memory_space<vmem>>
        %dma_wait3A_71 = arith.constant 0 : i32
        %dma_wait3A_72 = arith.constant 0 : i32
        %dma_wait3A_73 = tpu.memref_slice %arg6[%dma_wait3A_71, %dma_wait3A_72] : memref<50048x16xf32, #tpu.memory_space<vmem_shared>> -> memref<50048x16xf32, #tpu.memory_space<vmem_shared>>
        tpu.wait_indirect_dma semaphore(%run_scoped3A : memref<!tpu.dma_semaphore, #tpu.memory_space<semaphore_mem>>) src(%dma_wait3A_67 : memref<128x16xf32, #tpu.memory_space<vmem>>) dst(%dma_wait3A_73 : memref<50048x16xf32, #tpu.memory_space<vmem_shared>>)
        tpu.yield
      }) : () -> ()
      %mul3A_50 = arith.constant 8 : i32
      %mul3A_51 = arith.muli %scan3A_20, %mul3A_50 : i32
      %add3A_52 = arith.constant 6 : i32
      %add3A_53 = arith.addi %mul3A_51, %add3A_52 : i32
      "tpu.region"() ({
        %run_scoped3A = tpu.sem_alloc : memref<!tpu.dma_semaphore, #tpu.memory_space<semaphore_mem>>
        %dma_start3A = arith.constant 768 : i32
        %dma_start3A_58 = arith.constant 0 : i32
        %dma_start3A_59 = tpu.memref_slice %arg8[%dma_start3A, %dma_start3A_58] : memref<1024x16xf32, #tpu.memory_space<vmem>> -> memref<128x16xf32, #tpu.memory_space<vmem>>
        %dma_start3A_60 = arith.constant 0 : i32
        %dma_start3A_61 = tpu.memref_slice %arg7[%add3A_53, %dma_start3A_60] : memref<200x128xi32, #tpu.memory_space<vmem>> -> memref<1x128xi32, #tpu.memory_space<vmem>>
        %dma_start3A_62 = tpu.memref_squeeze %dma_start3A_61 : memref<1x128xi32, #tpu.memory_space<vmem>> -> memref<128xi32, #tpu.memory_space<vmem>>
        %dma_start3A_63 = arith.constant 0 : i32
        %dma_start3A_64 = arith.constant 0 : i32
        %dma_start3A_65 = tpu.memref_slice %arg6[%dma_start3A_63, %dma_start3A_64] : memref<50048x16xf32, #tpu.memory_space<vmem_shared>> -> memref<50048x16xf32, #tpu.memory_space<vmem_shared>>
        tpu.enqueue_indirect_dma source(%dma_start3A_59 : memref<128x16xf32, #tpu.memory_space<vmem>>) target(%dma_start3A_65 : memref<50048x16xf32, #tpu.memory_space<vmem_shared>>) offsets(%dma_start3A_62 : memref<128xi32, #tpu.memory_space<vmem>>) semaphore(%run_scoped3A : memref<!tpu.dma_semaphore, #tpu.memory_space<semaphore_mem>>) {add = true}
        %dma_wait3A = arith.constant 768 : i32
        %dma_wait3A_66 = arith.constant 0 : i32
        %dma_wait3A_67 = tpu.memref_slice %arg8[%dma_wait3A, %dma_wait3A_66] : memref<1024x16xf32, #tpu.memory_space<vmem>> -> memref<128x16xf32, #tpu.memory_space<vmem>>
        %dma_wait3A_68 = arith.constant 0 : i32
        %dma_wait3A_69 = tpu.memref_slice %arg7[%add3A_53, %dma_wait3A_68] : memref<200x128xi32, #tpu.memory_space<vmem>> -> memref<1x128xi32, #tpu.memory_space<vmem>>
        %dma_wait3A_70 = tpu.memref_squeeze %dma_wait3A_69 : memref<1x128xi32, #tpu.memory_space<vmem>> -> memref<128xi32, #tpu.memory_space<vmem>>
        %dma_wait3A_71 = arith.constant 0 : i32
        %dma_wait3A_72 = arith.constant 0 : i32
        %dma_wait3A_73 = tpu.memref_slice %arg6[%dma_wait3A_71, %dma_wait3A_72] : memref<50048x16xf32, #tpu.memory_space<vmem_shared>> -> memref<50048x16xf32, #tpu.memory_space<vmem_shared>>
        tpu.wait_indirect_dma semaphore(%run_scoped3A : memref<!tpu.dma_semaphore, #tpu.memory_space<semaphore_mem>>) src(%dma_wait3A_67 : memref<128x16xf32, #tpu.memory_space<vmem>>) dst(%dma_wait3A_73 : memref<50048x16xf32, #tpu.memory_space<vmem_shared>>)
        tpu.yield
      }) : () -> ()
      %mul3A_54 = arith.constant 8 : i32
      %mul3A_55 = arith.muli %scan3A_20, %mul3A_54 : i32
      %add3A_56 = arith.constant 7 : i32
      %add3A_57 = arith.addi %mul3A_55, %add3A_56 : i32
      "tpu.region"() ({
        %run_scoped3A = tpu.sem_alloc : memref<!tpu.dma_semaphore, #tpu.memory_space<semaphore_mem>>
        %dma_start3A = arith.constant 896 : i32
        %dma_start3A_58 = arith.constant 0 : i32
        %dma_start3A_59 = tpu.memref_slice %arg8[%dma_start3A, %dma_start3A_58] : memref<1024x16xf32, #tpu.memory_space<vmem>> -> memref<128x16xf32, #tpu.memory_space<vmem>>
        %dma_start3A_60 = arith.constant 0 : i32
        %dma_start3A_61 = tpu.memref_slice %arg7[%add3A_57, %dma_start3A_60] : memref<200x128xi32, #tpu.memory_space<vmem>> -> memref<1x128xi32, #tpu.memory_space<vmem>>
        %dma_start3A_62 = tpu.memref_squeeze %dma_start3A_61 : memref<1x128xi32, #tpu.memory_space<vmem>> -> memref<128xi32, #tpu.memory_space<vmem>>
        %dma_start3A_63 = arith.constant 0 : i32
        %dma_start3A_64 = arith.constant 0 : i32
        %dma_start3A_65 = tpu.memref_slice %arg6[%dma_start3A_63, %dma_start3A_64] : memref<50048x16xf32, #tpu.memory_space<vmem_shared>> -> memref<50048x16xf32, #tpu.memory_space<vmem_shared>>
        tpu.enqueue_indirect_dma source(%dma_start3A_59 : memref<128x16xf32, #tpu.memory_space<vmem>>) target(%dma_start3A_65 : memref<50048x16xf32, #tpu.memory_space<vmem_shared>>) offsets(%dma_start3A_62 : memref<128xi32, #tpu.memory_space<vmem>>) semaphore(%run_scoped3A : memref<!tpu.dma_semaphore, #tpu.memory_space<semaphore_mem>>) {add = true}
        %dma_wait3A = arith.constant 896 : i32
        %dma_wait3A_66 = arith.constant 0 : i32
        %dma_wait3A_67 = tpu.memref_slice %arg8[%dma_wait3A, %dma_wait3A_66] : memref<1024x16xf32, #tpu.memory_space<vmem>> -> memref<128x16xf32, #tpu.memory_space<vmem>>
        %dma_wait3A_68 = arith.constant 0 : i32
        %dma_wait3A_69 = tpu.memref_slice %arg7[%add3A_57, %dma_wait3A_68] : memref<200x128xi32, #tpu.memory_space<vmem>> -> memref<1x128xi32, #tpu.memory_space<vmem>>
        %dma_wait3A_70 = tpu.memref_squeeze %dma_wait3A_69 : memref<1x128xi32, #tpu.memory_space<vmem>> -> memref<128xi32, #tpu.memory_space<vmem>>
        %dma_wait3A_71 = arith.constant 0 : i32
        %dma_wait3A_72 = arith.constant 0 : i32
        %dma_wait3A_73 = tpu.memref_slice %arg6[%dma_wait3A_71, %dma_wait3A_72] : memref<50048x16xf32, #tpu.memory_space<vmem_shared>> -> memref<50048x16xf32, #tpu.memory_space<vmem_shared>>
        tpu.wait_indirect_dma semaphore(%run_scoped3A : memref<!tpu.dma_semaphore, #tpu.memory_space<semaphore_mem>>) src(%dma_wait3A_67 : memref<128x16xf32, #tpu.memory_space<vmem>>) dst(%dma_wait3A_73 : memref<50048x16xf32, #tpu.memory_space<vmem_shared>>)
        tpu.yield
      }) : () -> ()
    }
    %scan3A_11 = arith.constant 25 : i32
    %barrier3A_12 = arith.constant 0 : index
    tpu.barrier barrier_id(%barrier3A_12)
    %mul3A_13 = arith.constant 3128 : i32
    %mul3A_14 = arith.muli %arg1, %mul3A_13 : i32
    %mul3A_15 = arith.constant 50048 : i32
    %mul3A_16 = arith.muli %arg0, %mul3A_15 : i32
    %mul3A_17 = arith.constant 3128 : i32
    %mul3A_18 = arith.muli %arg1, %mul3A_17 : i32
    %add3A_19 = arith.addi %mul3A_16, %mul3A_18 : i32
    "tpu.region"() ({
      %run_scoped3A = tpu.sem_alloc : memref<!tpu.dma_semaphore, #tpu.memory_space<semaphore_mem>>
      %dma_start3A = arith.constant 0 : i32
      %dma_start3A_20 = tpu.memref_slice %arg5[%add3A_19, %dma_start3A] : memref<100096x16xf32, #tpu.memory_space<hbm>> -> memref<3128x16xf32, #tpu.memory_space<hbm>>
      %dma_start3A_21 = arith.constant 0 : i32
      %dma_start3A_22 = tpu.memref_slice %arg6[%mul3A_14, %dma_start3A_21] : memref<50048x16xf32, #tpu.memory_space<vmem_shared>> -> memref<3128x16xf32, #tpu.memory_space<vmem_shared>>
      tpu.enqueue_dma source(%dma_start3A_22 : memref<3128x16xf32, #tpu.memory_space<vmem_shared>>) target(%dma_start3A_20 : memref<3128x16xf32, #tpu.memory_space<hbm>>) target_semaphore(%run_scoped3A : memref<!tpu.dma_semaphore, #tpu.memory_space<semaphore_mem>>)
      %dma_wait3A = arith.constant 0 : i32
      %dma_wait3A_23 = tpu.memref_slice %arg5[%add3A_19, %dma_wait3A] : memref<100096x16xf32, #tpu.memory_space<hbm>> -> memref<3128x16xf32, #tpu.memory_space<hbm>>
      %dma_wait3A_24 = arith.constant 0 : i32
      %dma_wait3A_25 = tpu.memref_slice %arg6[%mul3A_14, %dma_wait3A_24] : memref<50048x16xf32, #tpu.memory_space<vmem_shared>> -> memref<3128x16xf32, #tpu.memory_space<vmem_shared>>
      tpu.wait_dma2 semaphore(%run_scoped3A : memref<!tpu.dma_semaphore, #tpu.memory_space<semaphore_mem>>) src(%dma_wait3A_25 : memref<3128x16xf32, #tpu.memory_space<vmem_shared>>) dst(%dma_wait3A_23 : memref<3128x16xf32, #tpu.memory_space<hbm>>)
      tpu.yield
    }) : () -> ()
    return
  }
}

#map = affine_map<(d0, d1) -> (0, 0)>
module attributes {stable_mosaic.version = 14 : i64} {
  func.func @_gather_body(%arg0: i32, %arg1: i32, %arg2: memref<50000x16xf32, #tpu.memory_space<hbm>>, %arg3: memref<6400x128xi32, #tpu.memory_space<hbm>>, %arg4: memref<819200x16xf32, #tpu.memory_space<hbm>>, %arg5: memref<200x128xi32, #tpu.memory_space<vmem>>, %arg6: memref<1024x16xf32, #tpu.memory_space<vmem>>, %arg7: memref<!tpu.dma_semaphore, #tpu.memory_space<semaphore_mem>>) attributes {dimension_semantics = [#tpu.dimension_semantics<core_parallel>, #tpu.dimension_semantics<subcore_parallel>], iteration_bounds = array<i64: 2, 16>, scalar_prefetch = 0 : i64, scratch_operands = 3 : i64, tpu.core_type = #tpu.core_type<sc_vector_subcore>, window_params = [{transform_indices = #map}, {transform_indices = #map}, {transform_indices = #map}]} {
    %mul3A = arith.constant 16 : i32
    %mul3A_0 = arith.muli %arg0, %mul3A : i32
    %add3A = arith.addi %mul3A_0, %arg1 : i32
    %mul3A_1 = arith.constant 200 : i32
    %mul3A_2 = arith.muli %add3A, %mul3A_1 : i32
    "tpu.region"() ({
      %run_scoped3A = tpu.sem_alloc : memref<!tpu.dma_semaphore, #tpu.memory_space<semaphore_mem>>
      %dma_start3A = arith.constant 0 : i32
      %dma_start3A_8 = tpu.memref_slice %arg3[%mul3A_2, %dma_start3A] : memref<6400x128xi32, #tpu.memory_space<hbm>> -> memref<200x128xi32, #tpu.memory_space<hbm>>
      %dma_start3A_9 = arith.constant 0 : i32
      %dma_start3A_10 = tpu.memref_slice %arg3[%mul3A_2, %dma_start3A_9] : memref<6400x128xi32, #tpu.memory_space<hbm>> -> memref<200x128xi32, #tpu.memory_space<hbm>>
      tpu.enqueue_dma source(%dma_start3A_10 : memref<200x128xi32, #tpu.memory_space<hbm>>) target(%arg5 : memref<200x128xi32, #tpu.memory_space<vmem>>) target_semaphore(%run_scoped3A : memref<!tpu.dma_semaphore, #tpu.memory_space<semaphore_mem>>)
      %dma_wait3A = arith.constant 0 : i32
      %dma_wait3A_11 = tpu.memref_slice %arg3[%mul3A_2, %dma_wait3A] : memref<6400x128xi32, #tpu.memory_space<hbm>> -> memref<200x128xi32, #tpu.memory_space<hbm>>
      %dma_wait3A_12 = arith.constant 0 : i32
      %dma_wait3A_13 = tpu.memref_slice %arg3[%mul3A_2, %dma_wait3A_12] : memref<6400x128xi32, #tpu.memory_space<hbm>> -> memref<200x128xi32, #tpu.memory_space<hbm>>
      tpu.wait_dma2 semaphore(%run_scoped3A : memref<!tpu.dma_semaphore, #tpu.memory_space<semaphore_mem>>) src(%dma_wait3A_13 : memref<200x128xi32, #tpu.memory_space<hbm>>) dst(%arg5 : memref<200x128xi32, #tpu.memory_space<vmem>>)
      tpu.yield
    }) : () -> ()
    %scan3A = arith.constant 0 : i32
    %scan3A_3 = arith.constant 0 : i32
    %scan3A_4 = arith.constant 25 : i32
    %scan3A_5 = arith.addi %scan3A_3, %scan3A_4 : i32
    %scan3A_6 = arith.constant 1 : i32
    scf.for %scan3A_8 = %scan3A_3 to %scan3A_5 step %scan3A_6  : i32 {
      %mul3A_9 = arith.constant 8 : i32
      %mul3A_10 = arith.muli %scan3A_8, %mul3A_9 : i32
      %add3A_11 = arith.addi %mul3A_2, %mul3A_10 : i32
      %mul3A_12 = arith.constant 8 : i32
      %mul3A_13 = arith.muli %scan3A_8, %mul3A_12 : i32
      %add3A_14 = arith.constant 0 : i32
      %add3A_15 = arith.addi %mul3A_13, %add3A_14 : i32
      %dma_start3A = arith.constant 0 : i32
      %dma_start3A_16 = arith.constant 0 : i32
      %dma_start3A_17 = tpu.memref_slice %arg6[%dma_start3A, %dma_start3A_16] : memref<1024x16xf32, #tpu.memory_space<vmem>> -> memref<128x16xf32, #tpu.memory_space<vmem>>
      %dma_start3A_18 = arith.constant 0 : i32
      %dma_start3A_19 = tpu.memref_slice %arg5[%add3A_15, %dma_start3A_18] : memref<200x128xi32, #tpu.memory_space<vmem>> -> memref<1x128xi32, #tpu.memory_space<vmem>>
      %dma_start3A_20 = tpu.memref_squeeze %dma_start3A_19 : memref<1x128xi32, #tpu.memory_space<vmem>> -> memref<128xi32, #tpu.memory_space<vmem>>
      %dma_start3A_21 = arith.constant 0 : i32
      %dma_start3A_22 = arith.constant 0 : i32
      %dma_start3A_23 = tpu.memref_slice %arg2[%dma_start3A_21, %dma_start3A_22] : memref<50000x16xf32, #tpu.memory_space<hbm>> -> memref<50000x16xf32, #tpu.memory_space<hbm>>
      tpu.enqueue_indirect_dma source(%dma_start3A_23 : memref<50000x16xf32, #tpu.memory_space<hbm>>) target(%dma_start3A_17 : memref<128x16xf32, #tpu.memory_space<vmem>>) offsets(%dma_start3A_20 : memref<128xi32, #tpu.memory_space<vmem>>) semaphore(%arg7 : memref<!tpu.dma_semaphore, #tpu.memory_space<semaphore_mem>>)
      %mul3A_24 = arith.constant 8 : i32
      %mul3A_25 = arith.muli %scan3A_8, %mul3A_24 : i32
      %add3A_26 = arith.constant 1 : i32
      %add3A_27 = arith.addi %mul3A_25, %add3A_26 : i32
      %dma_start3A_28 = arith.constant 128 : i32
      %dma_start3A_29 = arith.constant 0 : i32
      %dma_start3A_30 = tpu.memref_slice %arg6[%dma_start3A_28, %dma_start3A_29] : memref<1024x16xf32, #tpu.memory_space<vmem>> -> memref<128x16xf32, #tpu.memory_space<vmem>>
      %dma_start3A_31 = arith.constant 0 : i32
      %dma_start3A_32 = tpu.memref_slice %arg5[%add3A_27, %dma_start3A_31] : memref<200x128xi32, #tpu.memory_space<vmem>> -> memref<1x128xi32, #tpu.memory_space<vmem>>
      %dma_start3A_33 = tpu.memref_squeeze %dma_start3A_32 : memref<1x128xi32, #tpu.memory_space<vmem>> -> memref<128xi32, #tpu.memory_space<vmem>>
      %dma_start3A_34 = arith.constant 0 : i32
      %dma_start3A_35 = arith.constant 0 : i32
      %dma_start3A_36 = tpu.memref_slice %arg2[%dma_start3A_34, %dma_start3A_35] : memref<50000x16xf32, #tpu.memory_space<hbm>> -> memref<50000x16xf32, #tpu.memory_space<hbm>>
      tpu.enqueue_indirect_dma source(%dma_start3A_36 : memref<50000x16xf32, #tpu.memory_space<hbm>>) target(%dma_start3A_30 : memref<128x16xf32, #tpu.memory_space<vmem>>) offsets(%dma_start3A_33 : memref<128xi32, #tpu.memory_space<vmem>>) semaphore(%arg7 : memref<!tpu.dma_semaphore, #tpu.memory_space<semaphore_mem>>)
      %mul3A_37 = arith.constant 8 : i32
      %mul3A_38 = arith.muli %scan3A_8, %mul3A_37 : i32
      %add3A_39 = arith.constant 2 : i32
      %add3A_40 = arith.addi %mul3A_38, %add3A_39 : i32
      %dma_start3A_41 = arith.constant 256 : i32
      %dma_start3A_42 = arith.constant 0 : i32
      %dma_start3A_43 = tpu.memref_slice %arg6[%dma_start3A_41, %dma_start3A_42] : memref<1024x16xf32, #tpu.memory_space<vmem>> -> memref<128x16xf32, #tpu.memory_space<vmem>>
      %dma_start3A_44 = arith.constant 0 : i32
      %dma_start3A_45 = tpu.memref_slice %arg5[%add3A_40, %dma_start3A_44] : memref<200x128xi32, #tpu.memory_space<vmem>> -> memref<1x128xi32, #tpu.memory_space<vmem>>
      %dma_start3A_46 = tpu.memref_squeeze %dma_start3A_45 : memref<1x128xi32, #tpu.memory_space<vmem>> -> memref<128xi32, #tpu.memory_space<vmem>>
      %dma_start3A_47 = arith.constant 0 : i32
      %dma_start3A_48 = arith.constant 0 : i32
      %dma_start3A_49 = tpu.memref_slice %arg2[%dma_start3A_47, %dma_start3A_48] : memref<50000x16xf32, #tpu.memory_space<hbm>> -> memref<50000x16xf32, #tpu.memory_space<hbm>>
      tpu.enqueue_indirect_dma source(%dma_start3A_49 : memref<50000x16xf32, #tpu.memory_space<hbm>>) target(%dma_start3A_43 : memref<128x16xf32, #tpu.memory_space<vmem>>) offsets(%dma_start3A_46 : memref<128xi32, #tpu.memory_space<vmem>>) semaphore(%arg7 : memref<!tpu.dma_semaphore, #tpu.memory_space<semaphore_mem>>)
      %mul3A_50 = arith.constant 8 : i32
      %mul3A_51 = arith.muli %scan3A_8, %mul3A_50 : i32
      %add3A_52 = arith.constant 3 : i32
      %add3A_53 = arith.addi %mul3A_51, %add3A_52 : i32
      %dma_start3A_54 = arith.constant 384 : i32
      %dma_start3A_55 = arith.constant 0 : i32
      %dma_start3A_56 = tpu.memref_slice %arg6[%dma_start3A_54, %dma_start3A_55] : memref<1024x16xf32, #tpu.memory_space<vmem>> -> memref<128x16xf32, #tpu.memory_space<vmem>>
      %dma_start3A_57 = arith.constant 0 : i32
      %dma_start3A_58 = tpu.memref_slice %arg5[%add3A_53, %dma_start3A_57] : memref<200x128xi32, #tpu.memory_space<vmem>> -> memref<1x128xi32, #tpu.memory_space<vmem>>
      %dma_start3A_59 = tpu.memref_squeeze %dma_start3A_58 : memref<1x128xi32, #tpu.memory_space<vmem>> -> memref<128xi32, #tpu.memory_space<vmem>>
      %dma_start3A_60 = arith.constant 0 : i32
      %dma_start3A_61 = arith.constant 0 : i32
      %dma_start3A_62 = tpu.memref_slice %arg2[%dma_start3A_60, %dma_start3A_61] : memref<50000x16xf32, #tpu.memory_space<hbm>> -> memref<50000x16xf32, #tpu.memory_space<hbm>>
      tpu.enqueue_indirect_dma source(%dma_start3A_62 : memref<50000x16xf32, #tpu.memory_space<hbm>>) target(%dma_start3A_56 : memref<128x16xf32, #tpu.memory_space<vmem>>) offsets(%dma_start3A_59 : memref<128xi32, #tpu.memory_space<vmem>>) semaphore(%arg7 : memref<!tpu.dma_semaphore, #tpu.memory_space<semaphore_mem>>)
      %mul3A_63 = arith.constant 8 : i32
      %mul3A_64 = arith.muli %scan3A_8, %mul3A_63 : i32
      %add3A_65 = arith.constant 4 : i32
      %add3A_66 = arith.addi %mul3A_64, %add3A_65 : i32
      %dma_start3A_67 = arith.constant 512 : i32
      %dma_start3A_68 = arith.constant 0 : i32
      %dma_start3A_69 = tpu.memref_slice %arg6[%dma_start3A_67, %dma_start3A_68] : memref<1024x16xf32, #tpu.memory_space<vmem>> -> memref<128x16xf32, #tpu.memory_space<vmem>>
      %dma_start3A_70 = arith.constant 0 : i32
      %dma_start3A_71 = tpu.memref_slice %arg5[%add3A_66, %dma_start3A_70] : memref<200x128xi32, #tpu.memory_space<vmem>> -> memref<1x128xi32, #tpu.memory_space<vmem>>
      %dma_start3A_72 = tpu.memref_squeeze %dma_start3A_71 : memref<1x128xi32, #tpu.memory_space<vmem>> -> memref<128xi32, #tpu.memory_space<vmem>>
      %dma_start3A_73 = arith.constant 0 : i32
      %dma_start3A_74 = arith.constant 0 : i32
      %dma_start3A_75 = tpu.memref_slice %arg2[%dma_start3A_73, %dma_start3A_74] : memref<50000x16xf32, #tpu.memory_space<hbm>> -> memref<50000x16xf32, #tpu.memory_space<hbm>>
      tpu.enqueue_indirect_dma source(%dma_start3A_75 : memref<50000x16xf32, #tpu.memory_space<hbm>>) target(%dma_start3A_69 : memref<128x16xf32, #tpu.memory_space<vmem>>) offsets(%dma_start3A_72 : memref<128xi32, #tpu.memory_space<vmem>>) semaphore(%arg7 : memref<!tpu.dma_semaphore, #tpu.memory_space<semaphore_mem>>)
      %mul3A_76 = arith.constant 8 : i32
      %mul3A_77 = arith.muli %scan3A_8, %mul3A_76 : i32
      %add3A_78 = arith.constant 5 : i32
      %add3A_79 = arith.addi %mul3A_77, %add3A_78 : i32
      %dma_start3A_80 = arith.constant 640 : i32
      %dma_start3A_81 = arith.constant 0 : i32
      %dma_start3A_82 = tpu.memref_slice %arg6[%dma_start3A_80, %dma_start3A_81] : memref<1024x16xf32, #tpu.memory_space<vmem>> -> memref<128x16xf32, #tpu.memory_space<vmem>>
      %dma_start3A_83 = arith.constant 0 : i32
      %dma_start3A_84 = tpu.memref_slice %arg5[%add3A_79, %dma_start3A_83] : memref<200x128xi32, #tpu.memory_space<vmem>> -> memref<1x128xi32, #tpu.memory_space<vmem>>
      %dma_start3A_85 = tpu.memref_squeeze %dma_start3A_84 : memref<1x128xi32, #tpu.memory_space<vmem>> -> memref<128xi32, #tpu.memory_space<vmem>>
      %dma_start3A_86 = arith.constant 0 : i32
      %dma_start3A_87 = arith.constant 0 : i32
      %dma_start3A_88 = tpu.memref_slice %arg2[%dma_start3A_86, %dma_start3A_87] : memref<50000x16xf32, #tpu.memory_space<hbm>> -> memref<50000x16xf32, #tpu.memory_space<hbm>>
      tpu.enqueue_indirect_dma source(%dma_start3A_88 : memref<50000x16xf32, #tpu.memory_space<hbm>>) target(%dma_start3A_82 : memref<128x16xf32, #tpu.memory_space<vmem>>) offsets(%dma_start3A_85 : memref<128xi32, #tpu.memory_space<vmem>>) semaphore(%arg7 : memref<!tpu.dma_semaphore, #tpu.memory_space<semaphore_mem>>)
      %mul3A_89 = arith.constant 8 : i32
      %mul3A_90 = arith.muli %scan3A_8, %mul3A_89 : i32
      %add3A_91 = arith.constant 6 : i32
      %add3A_92 = arith.addi %mul3A_90, %add3A_91 : i32
      %dma_start3A_93 = arith.constant 768 : i32
      %dma_start3A_94 = arith.constant 0 : i32
      %dma_start3A_95 = tpu.memref_slice %arg6[%dma_start3A_93, %dma_start3A_94] : memref<1024x16xf32, #tpu.memory_space<vmem>> -> memref<128x16xf32, #tpu.memory_space<vmem>>
      %dma_start3A_96 = arith.constant 0 : i32
      %dma_start3A_97 = tpu.memref_slice %arg5[%add3A_92, %dma_start3A_96] : memref<200x128xi32, #tpu.memory_space<vmem>> -> memref<1x128xi32, #tpu.memory_space<vmem>>
      %dma_start3A_98 = tpu.memref_squeeze %dma_start3A_97 : memref<1x128xi32, #tpu.memory_space<vmem>> -> memref<128xi32, #tpu.memory_space<vmem>>
      %dma_start3A_99 = arith.constant 0 : i32
      %dma_start3A_100 = arith.constant 0 : i32
      %dma_start3A_101 = tpu.memref_slice %arg2[%dma_start3A_99, %dma_start3A_100] : memref<50000x16xf32, #tpu.memory_space<hbm>> -> memref<50000x16xf32, #tpu.memory_space<hbm>>
      tpu.enqueue_indirect_dma source(%dma_start3A_101 : memref<50000x16xf32, #tpu.memory_space<hbm>>) target(%dma_start3A_95 : memref<128x16xf32, #tpu.memory_space<vmem>>) offsets(%dma_start3A_98 : memref<128xi32, #tpu.memory_space<vmem>>) semaphore(%arg7 : memref<!tpu.dma_semaphore, #tpu.memory_space<semaphore_mem>>)
      %mul3A_102 = arith.constant 8 : i32
      %mul3A_103 = arith.muli %scan3A_8, %mul3A_102 : i32
      %add3A_104 = arith.constant 7 : i32
      %add3A_105 = arith.addi %mul3A_103, %add3A_104 : i32
      %dma_start3A_106 = arith.constant 896 : i32
      %dma_start3A_107 = arith.constant 0 : i32
      %dma_start3A_108 = tpu.memref_slice %arg6[%dma_start3A_106, %dma_start3A_107] : memref<1024x16xf32, #tpu.memory_space<vmem>> -> memref<128x16xf32, #tpu.memory_space<vmem>>
      %dma_start3A_109 = arith.constant 0 : i32
      %dma_start3A_110 = tpu.memref_slice %arg5[%add3A_105, %dma_start3A_109] : memref<200x128xi32, #tpu.memory_space<vmem>> -> memref<1x128xi32, #tpu.memory_space<vmem>>
      %dma_start3A_111 = tpu.memref_squeeze %dma_start3A_110 : memref<1x128xi32, #tpu.memory_space<vmem>> -> memref<128xi32, #tpu.memory_space<vmem>>
      %dma_start3A_112 = arith.constant 0 : i32
      %dma_start3A_113 = arith.constant 0 : i32
      %dma_start3A_114 = tpu.memref_slice %arg2[%dma_start3A_112, %dma_start3A_113] : memref<50000x16xf32, #tpu.memory_space<hbm>> -> memref<50000x16xf32, #tpu.memory_space<hbm>>
      tpu.enqueue_indirect_dma source(%dma_start3A_114 : memref<50000x16xf32, #tpu.memory_space<hbm>>) target(%dma_start3A_108 : memref<128x16xf32, #tpu.memory_space<vmem>>) offsets(%dma_start3A_111 : memref<128xi32, #tpu.memory_space<vmem>>) semaphore(%arg7 : memref<!tpu.dma_semaphore, #tpu.memory_space<semaphore_mem>>)
      %dma_wait3A = arith.constant 0 : i32
      %dma_wait3A_115 = arith.constant 0 : i32
      %dma_wait3A_116 = tpu.memref_slice %arg6[%dma_wait3A, %dma_wait3A_115] : memref<1024x16xf32, #tpu.memory_space<vmem>> -> memref<128x16xf32, #tpu.memory_space<vmem>>
      %dma_wait3A_117 = arith.constant 0 : i32
      %dma_wait3A_118 = tpu.memref_slice %arg5[%add3A_15, %dma_wait3A_117] : memref<200x128xi32, #tpu.memory_space<vmem>> -> memref<1x128xi32, #tpu.memory_space<vmem>>
      %dma_wait3A_119 = tpu.memref_squeeze %dma_wait3A_118 : memref<1x128xi32, #tpu.memory_space<vmem>> -> memref<128xi32, #tpu.memory_space<vmem>>
      %dma_wait3A_120 = arith.constant 0 : i32
      %dma_wait3A_121 = arith.constant 0 : i32
      %dma_wait3A_122 = tpu.memref_slice %arg2[%dma_wait3A_120, %dma_wait3A_121] : memref<50000x16xf32, #tpu.memory_space<hbm>> -> memref<50000x16xf32, #tpu.memory_space<hbm>>
      tpu.wait_indirect_dma semaphore(%arg7 : memref<!tpu.dma_semaphore, #tpu.memory_space<semaphore_mem>>) src(%dma_wait3A_122 : memref<50000x16xf32, #tpu.memory_space<hbm>>) dst(%dma_wait3A_116 : memref<128x16xf32, #tpu.memory_space<vmem>>)
      %dma_wait3A_123 = arith.constant 128 : i32
      %dma_wait3A_124 = arith.constant 0 : i32
      %dma_wait3A_125 = tpu.memref_slice %arg6[%dma_wait3A_123, %dma_wait3A_124] : memref<1024x16xf32, #tpu.memory_space<vmem>> -> memref<128x16xf32, #tpu.memory_space<vmem>>
      %dma_wait3A_126 = arith.constant 0 : i32
      %dma_wait3A_127 = tpu.memref_slice %arg5[%add3A_27, %dma_wait3A_126] : memref<200x128xi32, #tpu.memory_space<vmem>> -> memref<1x128xi32, #tpu.memory_space<vmem>>
      %dma_wait3A_128 = tpu.memref_squeeze %dma_wait3A_127 : memref<1x128xi32, #tpu.memory_space<vmem>> -> memref<128xi32, #tpu.memory_space<vmem>>
      %dma_wait3A_129 = arith.constant 0 : i32
      %dma_wait3A_130 = arith.constant 0 : i32
      %dma_wait3A_131 = tpu.memref_slice %arg2[%dma_wait3A_129, %dma_wait3A_130] : memref<50000x16xf32, #tpu.memory_space<hbm>> -> memref<50000x16xf32, #tpu.memory_space<hbm>>
      tpu.wait_indirect_dma semaphore(%arg7 : memref<!tpu.dma_semaphore, #tpu.memory_space<semaphore_mem>>) src(%dma_wait3A_131 : memref<50000x16xf32, #tpu.memory_space<hbm>>) dst(%dma_wait3A_125 : memref<128x16xf32, #tpu.memory_space<vmem>>)
      %dma_wait3A_132 = arith.constant 256 : i32
      %dma_wait3A_133 = arith.constant 0 : i32
      %dma_wait3A_134 = tpu.memref_slice %arg6[%dma_wait3A_132, %dma_wait3A_133] : memref<1024x16xf32, #tpu.memory_space<vmem>> -> memref<128x16xf32, #tpu.memory_space<vmem>>
      %dma_wait3A_135 = arith.constant 0 : i32
      %dma_wait3A_136 = tpu.memref_slice %arg5[%add3A_40, %dma_wait3A_135] : memref<200x128xi32, #tpu.memory_space<vmem>> -> memref<1x128xi32, #tpu.memory_space<vmem>>
      %dma_wait3A_137 = tpu.memref_squeeze %dma_wait3A_136 : memref<1x128xi32, #tpu.memory_space<vmem>> -> memref<128xi32, #tpu.memory_space<vmem>>
      %dma_wait3A_138 = arith.constant 0 : i32
      %dma_wait3A_139 = arith.constant 0 : i32
      %dma_wait3A_140 = tpu.memref_slice %arg2[%dma_wait3A_138, %dma_wait3A_139] : memref<50000x16xf32, #tpu.memory_space<hbm>> -> memref<50000x16xf32, #tpu.memory_space<hbm>>
      tpu.wait_indirect_dma semaphore(%arg7 : memref<!tpu.dma_semaphore, #tpu.memory_space<semaphore_mem>>) src(%dma_wait3A_140 : memref<50000x16xf32, #tpu.memory_space<hbm>>) dst(%dma_wait3A_134 : memref<128x16xf32, #tpu.memory_space<vmem>>)
      %dma_wait3A_141 = arith.constant 384 : i32
      %dma_wait3A_142 = arith.constant 0 : i32
      %dma_wait3A_143 = tpu.memref_slice %arg6[%dma_wait3A_141, %dma_wait3A_142] : memref<1024x16xf32, #tpu.memory_space<vmem>> -> memref<128x16xf32, #tpu.memory_space<vmem>>
      %dma_wait3A_144 = arith.constant 0 : i32
      %dma_wait3A_145 = tpu.memref_slice %arg5[%add3A_53, %dma_wait3A_144] : memref<200x128xi32, #tpu.memory_space<vmem>> -> memref<1x128xi32, #tpu.memory_space<vmem>>
      %dma_wait3A_146 = tpu.memref_squeeze %dma_wait3A_145 : memref<1x128xi32, #tpu.memory_space<vmem>> -> memref<128xi32, #tpu.memory_space<vmem>>
      %dma_wait3A_147 = arith.constant 0 : i32
      %dma_wait3A_148 = arith.constant 0 : i32
      %dma_wait3A_149 = tpu.memref_slice %arg2[%dma_wait3A_147, %dma_wait3A_148] : memref<50000x16xf32, #tpu.memory_space<hbm>> -> memref<50000x16xf32, #tpu.memory_space<hbm>>
      tpu.wait_indirect_dma semaphore(%arg7 : memref<!tpu.dma_semaphore, #tpu.memory_space<semaphore_mem>>) src(%dma_wait3A_149 : memref<50000x16xf32, #tpu.memory_space<hbm>>) dst(%dma_wait3A_143 : memref<128x16xf32, #tpu.memory_space<vmem>>)
      %dma_wait3A_150 = arith.constant 512 : i32
      %dma_wait3A_151 = arith.constant 0 : i32
      %dma_wait3A_152 = tpu.memref_slice %arg6[%dma_wait3A_150, %dma_wait3A_151] : memref<1024x16xf32, #tpu.memory_space<vmem>> -> memref<128x16xf32, #tpu.memory_space<vmem>>
      %dma_wait3A_153 = arith.constant 0 : i32
      %dma_wait3A_154 = tpu.memref_slice %arg5[%add3A_66, %dma_wait3A_153] : memref<200x128xi32, #tpu.memory_space<vmem>> -> memref<1x128xi32, #tpu.memory_space<vmem>>
      %dma_wait3A_155 = tpu.memref_squeeze %dma_wait3A_154 : memref<1x128xi32, #tpu.memory_space<vmem>> -> memref<128xi32, #tpu.memory_space<vmem>>
      %dma_wait3A_156 = arith.constant 0 : i32
      %dma_wait3A_157 = arith.constant 0 : i32
      %dma_wait3A_158 = tpu.memref_slice %arg2[%dma_wait3A_156, %dma_wait3A_157] : memref<50000x16xf32, #tpu.memory_space<hbm>> -> memref<50000x16xf32, #tpu.memory_space<hbm>>
      tpu.wait_indirect_dma semaphore(%arg7 : memref<!tpu.dma_semaphore, #tpu.memory_space<semaphore_mem>>) src(%dma_wait3A_158 : memref<50000x16xf32, #tpu.memory_space<hbm>>) dst(%dma_wait3A_152 : memref<128x16xf32, #tpu.memory_space<vmem>>)
      %dma_wait3A_159 = arith.constant 640 : i32
      %dma_wait3A_160 = arith.constant 0 : i32
      %dma_wait3A_161 = tpu.memref_slice %arg6[%dma_wait3A_159, %dma_wait3A_160] : memref<1024x16xf32, #tpu.memory_space<vmem>> -> memref<128x16xf32, #tpu.memory_space<vmem>>
      %dma_wait3A_162 = arith.constant 0 : i32
      %dma_wait3A_163 = tpu.memref_slice %arg5[%add3A_79, %dma_wait3A_162] : memref<200x128xi32, #tpu.memory_space<vmem>> -> memref<1x128xi32, #tpu.memory_space<vmem>>
      %dma_wait3A_164 = tpu.memref_squeeze %dma_wait3A_163 : memref<1x128xi32, #tpu.memory_space<vmem>> -> memref<128xi32, #tpu.memory_space<vmem>>
      %dma_wait3A_165 = arith.constant 0 : i32
      %dma_wait3A_166 = arith.constant 0 : i32
      %dma_wait3A_167 = tpu.memref_slice %arg2[%dma_wait3A_165, %dma_wait3A_166] : memref<50000x16xf32, #tpu.memory_space<hbm>> -> memref<50000x16xf32, #tpu.memory_space<hbm>>
      tpu.wait_indirect_dma semaphore(%arg7 : memref<!tpu.dma_semaphore, #tpu.memory_space<semaphore_mem>>) src(%dma_wait3A_167 : memref<50000x16xf32, #tpu.memory_space<hbm>>) dst(%dma_wait3A_161 : memref<128x16xf32, #tpu.memory_space<vmem>>)
      %dma_wait3A_168 = arith.constant 768 : i32
      %dma_wait3A_169 = arith.constant 0 : i32
      %dma_wait3A_170 = tpu.memref_slice %arg6[%dma_wait3A_168, %dma_wait3A_169] : memref<1024x16xf32, #tpu.memory_space<vmem>> -> memref<128x16xf32, #tpu.memory_space<vmem>>
      %dma_wait3A_171 = arith.constant 0 : i32
      %dma_wait3A_172 = tpu.memref_slice %arg5[%add3A_92, %dma_wait3A_171] : memref<200x128xi32, #tpu.memory_space<vmem>> -> memref<1x128xi32, #tpu.memory_space<vmem>>
      %dma_wait3A_173 = tpu.memref_squeeze %dma_wait3A_172 : memref<1x128xi32, #tpu.memory_space<vmem>> -> memref<128xi32, #tpu.memory_space<vmem>>
      %dma_wait3A_174 = arith.constant 0 : i32
      %dma_wait3A_175 = arith.constant 0 : i32
      %dma_wait3A_176 = tpu.memref_slice %arg2[%dma_wait3A_174, %dma_wait3A_175] : memref<50000x16xf32, #tpu.memory_space<hbm>> -> memref<50000x16xf32, #tpu.memory_space<hbm>>
      tpu.wait_indirect_dma semaphore(%arg7 : memref<!tpu.dma_semaphore, #tpu.memory_space<semaphore_mem>>) src(%dma_wait3A_176 : memref<50000x16xf32, #tpu.memory_space<hbm>>) dst(%dma_wait3A_170 : memref<128x16xf32, #tpu.memory_space<vmem>>)
      %dma_wait3A_177 = arith.constant 896 : i32
      %dma_wait3A_178 = arith.constant 0 : i32
      %dma_wait3A_179 = tpu.memref_slice %arg6[%dma_wait3A_177, %dma_wait3A_178] : memref<1024x16xf32, #tpu.memory_space<vmem>> -> memref<128x16xf32, #tpu.memory_space<vmem>>
      %dma_wait3A_180 = arith.constant 0 : i32
      %dma_wait3A_181 = tpu.memref_slice %arg5[%add3A_105, %dma_wait3A_180] : memref<200x128xi32, #tpu.memory_space<vmem>> -> memref<1x128xi32, #tpu.memory_space<vmem>>
      %dma_wait3A_182 = tpu.memref_squeeze %dma_wait3A_181 : memref<1x128xi32, #tpu.memory_space<vmem>> -> memref<128xi32, #tpu.memory_space<vmem>>
      %dma_wait3A_183 = arith.constant 0 : i32
      %dma_wait3A_184 = arith.constant 0 : i32
      %dma_wait3A_185 = tpu.memref_slice %arg2[%dma_wait3A_183, %dma_wait3A_184] : memref<50000x16xf32, #tpu.memory_space<hbm>> -> memref<50000x16xf32, #tpu.memory_space<hbm>>
      tpu.wait_indirect_dma semaphore(%arg7 : memref<!tpu.dma_semaphore, #tpu.memory_space<semaphore_mem>>) src(%dma_wait3A_185 : memref<50000x16xf32, #tpu.memory_space<hbm>>) dst(%dma_wait3A_179 : memref<128x16xf32, #tpu.memory_space<vmem>>)
      %mul3A_186 = arith.constant 128 : i32
      %mul3A_187 = arith.muli %add3A_11, %mul3A_186 : i32
      "tpu.region"() ({
        %run_scoped3A = tpu.sem_alloc : memref<!tpu.dma_semaphore, #tpu.memory_space<semaphore_mem>>
        %dma_start3A_188 = arith.constant 0 : i32
        %dma_start3A_189 = tpu.memref_slice %arg4[%mul3A_187, %dma_start3A_188] : memref<819200x16xf32, #tpu.memory_space<hbm>> -> memref<1024x16xf32, #tpu.memory_space<hbm>>
        %dma_start3A_190 = arith.constant 0 : i32
        %dma_start3A_191 = tpu.memref_slice %arg4[%mul3A_187, %dma_start3A_190] : memref<819200x16xf32, #tpu.memory_space<hbm>> -> memref<1024x16xf32, #tpu.memory_space<hbm>>
        tpu.enqueue_dma source(%arg6 : memref<1024x16xf32, #tpu.memory_space<vmem>>) target(%dma_start3A_191 : memref<1024x16xf32, #tpu.memory_space<hbm>>) target_semaphore(%run_scoped3A : memref<!tpu.dma_semaphore, #tpu.memory_space<semaphore_mem>>)
        %dma_wait3A_192 = arith.constant 0 : i32
        %dma_wait3A_193 = tpu.memref_slice %arg4[%mul3A_187, %dma_wait3A_192] : memref<819200x16xf32, #tpu.memory_space<hbm>> -> memref<1024x16xf32, #tpu.memory_space<hbm>>
        %dma_wait3A_194 = arith.constant 0 : i32
        %dma_wait3A_195 = tpu.memref_slice %arg4[%mul3A_187, %dma_wait3A_194] : memref<819200x16xf32, #tpu.memory_space<hbm>> -> memref<1024x16xf32, #tpu.memory_space<hbm>>
        tpu.wait_dma2 semaphore(%run_scoped3A : memref<!tpu.dma_semaphore, #tpu.memory_space<semaphore_mem>>) src(%arg6 : memref<1024x16xf32, #tpu.memory_space<vmem>>) dst(%dma_wait3A_195 : memref<1024x16xf32, #tpu.memory_space<hbm>>)
        tpu.yield
      }) : () -> ()
    }
    %scan3A_7 = arith.constant 25 : i32
    return
  }
}

module attributes {stable_mosaic.version = 14 : i64} {
  func.func @_msg_body(%arg0: i32, %arg1: memref<800x128xf32, #tpu.memory_space<vmem>>, %arg2: memref<800x128xf32, #tpu.memory_space<vmem>>, %arg3: memref<128x2048xbf16, #tpu.memory_space<vmem>>, %arg4: memref<128x2048xbf16, #tpu.memory_space<vmem>>, %arg5: memref<2048x128xbf16, #tpu.memory_space<vmem>>, %arg6: memref<800x128xf32, #tpu.memory_space<vmem>>) attributes {dimension_semantics = [#tpu.dimension_semantics<arbitrary>], iteration_bounds = array<i64: 128>, scalar_prefetch = 0 : i64, scratch_operands = 0 : i64, tpu.core_type = #tpu.core_type<tc>, window_params = [{transform_indices = @transform_0, window_bounds = array<i64: 800, 128>}, {transform_indices = @transform_1, window_bounds = array<i64: 800, 128>}, {pipeline_mode = #tpu.pipeline_mode<synchronous>, transform_indices = @transform_2, window_bounds = array<i64: 128, 2048>}, {pipeline_mode = #tpu.pipeline_mode<synchronous>, transform_indices = @transform_3, window_bounds = array<i64: 128, 2048>}, {pipeline_mode = #tpu.pipeline_mode<synchronous>, transform_indices = @transform_4, window_bounds = array<i64: 2048, 128>}, {transform_indices = @transform_5, window_bounds = array<i64: 800, 128>}]} {
    %get3A = arith.constant 0 : index
    %get3A_0 = arith.constant 0 : index
    %get3A_1 = vector.load %arg1[%get3A, %get3A_0] : memref<800x128xf32, #tpu.memory_space<vmem>>, vector<800x128xf32>
    %convert_element_type3A = arith.truncf %get3A_1 : vector<800x128xf32> to vector<800x128xbf16>
    %get3A_2 = arith.constant 0 : index
    %get3A_3 = arith.constant 0 : index
    %get3A_4 = vector.load %arg2[%get3A_2, %get3A_3] : memref<800x128xf32, #tpu.memory_space<vmem>>, vector<800x128xf32>
    %convert_element_type3A_5 = arith.truncf %get3A_4 : vector<800x128xf32> to vector<800x128xbf16>
    %get3A_6 = arith.constant 0 : index
    %get3A_7 = arith.constant 0 : index
    %get3A_8 = vector.load %arg3[%get3A_6, %get3A_7] : memref<128x2048xbf16, #tpu.memory_space<vmem>>, vector<128x2048xbf16>
    %dot_general3A = arith.constant dense<0.000000e+00> : vector<800x2048xf32>
    %dot_general3A_9 = tpu.matmul %convert_element_type3A, %get3A_8, %dot_general3A {dimension_numbers = #tpu.dot_dimension_numbers<[1], [0], [0], [1], [0, 0, 1, 1], [], []>, transpose_lhs_hint = false} : vector<800x128xbf16>, vector<128x2048xbf16>, vector<800x2048xf32> -> vector<800x2048xf32>
    %convert_element_type3A_10 = arith.truncf %dot_general3A_9 : vector<800x2048xf32> to vector<800x2048xbf16>
    %get3A_11 = arith.constant 0 : index
    %get3A_12 = arith.constant 0 : index
    %get3A_13 = vector.load %arg4[%get3A_11, %get3A_12] : memref<128x2048xbf16, #tpu.memory_space<vmem>>, vector<128x2048xbf16>
    %dot_general3A_14 = arith.constant dense<0.000000e+00> : vector<800x2048xf32>
    %dot_general3A_15 = tpu.matmul %convert_element_type3A_5, %get3A_13, %dot_general3A_14 {dimension_numbers = #tpu.dot_dimension_numbers<[1], [0], [0], [1], [0, 0, 1, 1], [], []>, transpose_lhs_hint = false} : vector<800x128xbf16>, vector<128x2048xbf16>, vector<800x2048xf32> -> vector<800x2048xf32>
    %convert_element_type3A_16 = arith.truncf %dot_general3A_15 : vector<800x2048xf32> to vector<800x2048xbf16>
    %mul3A = arith.mulf %convert_element_type3A_10, %convert_element_type3A_16 : vector<800x2048xbf16>
    %get3A_17 = arith.constant 0 : index
    %get3A_18 = arith.constant 0 : index
    %get3A_19 = vector.load %arg5[%get3A_17, %get3A_18] : memref<2048x128xbf16, #tpu.memory_space<vmem>>, vector<2048x128xbf16>
    %dot_general3A_20 = arith.constant dense<0.000000e+00> : vector<800x128xf32>
    %dot_general3A_21 = tpu.matmul %mul3A, %get3A_19, %dot_general3A_20 {dimension_numbers = #tpu.dot_dimension_numbers<[1], [0], [0], [1], [0, 0, 1, 1], [], []>, transpose_lhs_hint = false} : vector<800x2048xbf16>, vector<2048x128xbf16>, vector<800x128xf32> -> vector<800x128xf32>
    %swap3A = arith.constant 0 : index
    %swap3A_22 = arith.constant 0 : index
    %swap3A_23 = vector.load %arg6[%swap3A, %swap3A_22] : memref<800x128xf32, #tpu.memory_space<vmem>>, vector<800x128xf32>
    tpu.vector_store %arg6[%swap3A, %swap3A_22], %dot_general3A_21 {strides = array<i32>} : memref<800x128xf32, #tpu.memory_space<vmem>>, vector<800x128xf32>,
    return
  }
  func.func @transform_0(%arg0: i32) -> (i32, i32) {
    %c0_i32 = arith.constant 0 : i32
    %c0_i32_0 = arith.constant 0 : i32
    return %arg0, %c0_i32 : i32, i32
  }
  func.func @transform_1(%arg0: i32) -> (i32, i32) {
    %min3A = arith.constant 124 : i32
    %min3A_0 = arith.minsi %arg0, %min3A : i32
    %c0_i32 = arith.constant 0 : i32
    %c0_i32_1 = arith.constant 0 : i32
    return %min3A_0, %c0_i32 : i32, i32
  }
  func.func @transform_2(%arg0: i32) -> (i32, i32) {
    %c0_i32 = arith.constant 0 : i32
    %c0_i32_0 = arith.constant 0 : i32
    %c0_i32_1 = arith.constant 0 : i32
    return %c0_i32, %c0_i32_0 : i32, i32
  }
  func.func @transform_3(%arg0: i32) -> (i32, i32) {
    %c0_i32 = arith.constant 0 : i32
    %c0_i32_0 = arith.constant 0 : i32
    %c0_i32_1 = arith.constant 0 : i32
    return %c0_i32, %c0_i32_0 : i32, i32
  }
  func.func @transform_4(%arg0: i32) -> (i32, i32) {
    %c0_i32 = arith.constant 0 : i32
    %c0_i32_0 = arith.constant 0 : i32
    %c0_i32_1 = arith.constant 0 : i32
    return %c0_i32, %c0_i32_0 : i32, i32
  }
  func.func @transform_5(%arg0: i32) -> (i32, i32) {
    %c0_i32 = arith.constant 0 : i32
    %c0_i32_0 = arith.constant 0 : i32
    return %arg0, %c0_i32 : i32, i32
  }
}

module attributes {stable_mosaic.version = 14 : i64} {
  func.func @_comb_body(%arg0: i32, %arg1: memref<6250x128xf32, #tpu.memory_space<vmem>>, %arg2: memref<6250x128xf32, #tpu.memory_space<vmem>>, %arg3: memref<1x128xf32, #tpu.memory_space<vmem>>, %arg4: memref<6250x128xf32, #tpu.memory_space<vmem>>) attributes {dimension_semantics = [#tpu.dimension_semantics<arbitrary>], iteration_bounds = array<i64: 1>, scalar_prefetch = 0 : i64, scratch_operands = 0 : i64, tpu.core_type = #tpu.core_type<tc>, window_params = [{pipeline_mode = #tpu.pipeline_mode<synchronous>, transform_indices = @transform_0, window_bounds = array<i64: 6250, 128>}, {pipeline_mode = #tpu.pipeline_mode<synchronous>, transform_indices = @transform_1, window_bounds = array<i64: 6250, 128>}, {pipeline_mode = #tpu.pipeline_mode<synchronous>, transform_indices = @transform_2, window_bounds = array<i64: 1, 128>}, {pipeline_mode = #tpu.pipeline_mode<synchronous>, transform_indices = @transform_3, window_bounds = array<i64: 6250, 128>}]} {
    %get3A = arith.constant 0 : index
    %get3A_0 = arith.constant 0 : index
    %get3A_1 = vector.load %arg1[%get3A, %get3A_0] : memref<6250x128xf32, #tpu.memory_space<vmem>>, vector<6250x128xf32>
    %get3A_2 = arith.constant 0 : index
    %get3A_3 = arith.constant 0 : index
    %get3A_4 = vector.load %arg2[%get3A_2, %get3A_3] : memref<6250x128xf32, #tpu.memory_space<vmem>>, vector<6250x128xf32>
    %add3A = arith.addf %get3A_1, %get3A_4 : vector<6250x128xf32>
    %get3A_5 = arith.constant 0 : index
    %get3A_6 = arith.constant 0 : index
    %get3A_7 = vector.load %arg3[%get3A_5, %get3A_6] : memref<1x128xf32, #tpu.memory_space<vmem>>, vector<1x128xf32>
    %add3A_8 = vector.broadcast %get3A_7 : vector<1x128xf32> to vector<6250x128xf32>
    %add3A_9 = arith.addf %add3A, %add3A_8 : vector<6250x128xf32>
    %swap3A = arith.constant 0 : index
    %swap3A_10 = arith.constant 0 : index
    %swap3A_11 = vector.load %arg4[%swap3A, %swap3A_10] : memref<6250x128xf32, #tpu.memory_space<vmem>>, vector<6250x128xf32>
    tpu.vector_store %arg4[%swap3A, %swap3A_10], %add3A_9 {strides = array<i32>} : memref<6250x128xf32, #tpu.memory_space<vmem>>, vector<6250x128xf32>,
    return
  }
  func.func @transform_0(%arg0: i32) -> (i32, i32) {
    %c0_i32 = arith.constant 0 : i32
    %c0_i32_0 = arith.constant 0 : i32
    %c0_i32_1 = arith.constant 0 : i32
    return %c0_i32, %c0_i32_0 : i32, i32
  }
  func.func @transform_1(%arg0: i32) -> (i32, i32) {
    %c0_i32 = arith.constant 0 : i32
    %c0_i32_0 = arith.constant 0 : i32
    %c0_i32_1 = arith.constant 0 : i32
    return %c0_i32, %c0_i32_0 : i32, i32
  }
  func.func @transform_2(%arg0: i32) -> (i32, i32) {
    %c0_i32 = arith.constant 0 : i32
    %c0_i32_0 = arith.constant 0 : i32
    %c0_i32_1 = arith.constant 0 : i32
    return %c0_i32, %c0_i32_0 : i32, i32
  }
  func.func @transform_3(%arg0: i32) -> (i32, i32) {
    %c0_i32 = arith.constant 0 : i32
    %c0_i32_0 = arith.constant 0 : i32
    %c0_i32_1 = arith.constant 0 : i32
    return %c0_i32, %c0_i32_0 : i32, i32
  }
}

</mosaic_0001>

<sc_bundles>
// kernel: kernel.6.cloned.1.call-start
scs
__scs_entry_jumppad:
0x0: {  	(pc) =	sbr.rel $0x88, $3  }
0x1: {  	(tag) =	ssettag $0x0;
	lr =	simm.s32 $0x1  }
0x2: {  	[smem:$0x3F9C] =	sst lr;
	_ =	strace $0xD0000000  }
0x3: {  	_ = 	snop  }
0x4: {  	_ = 	snop  }
0x5: {  	_ = 	snop  }
0x6: {  	_ = 	snop  }
0x7: {  	_ = 	snop  }
__scs_overlays_trampoline_lowered:
0x8: {  	[smem:$0x3FAB] =	sst s0  }
0x9: {  	[smem:$0x3FAC] =	sst s1  }
0xa: {  	[smem:$0x3FAD] =	sst s2  }
0xb: {  	[smem:$0x3FAE] =	sst s3  }
0xc: {  	[smem:$0x3FAF] =	sst s4  }
0xd: {  	[smem:$0x3FB0] =	sst s5  }
0xe: {  	[smem:$0x3FB1] =	sst s6  }
0xf: {  	[smem:$0x3FB2] =	sst s7  }
0x10: {  	[smem:$0x3FB3] =	sst s8  }
0x11: {  	[smem:$0x3FB4] =	sst s9;
	s0 =	simm.s32 @!p0 $0x0  }
0x12: {  	s1 =	sld [smem:$0x3F9A];
	s0 =	simm.s32 @p0 $0x1  }
0x13: {  	[smem:$0x3FB5] =	sst s0;
	s0 =	simm.s32 @!p1 $0x0  }
0x14: {  	s2 =	sld [smem:$0x3F99];
	s0 =	simm.s32 @p1 $0x1  }
0x15: {  	[smem:$0x3FB6] =	sst s0;
	s0 =	simm.s32 @!p2 $0x0  }
0x16: {  	s3 =	sld [smem:$0x3FDB];
	s0 =	simm.s32 @p2 $0x1  }
0x17: {  	s4 =	simm.s32 $0x1BF5;
	[smem:$0x3FB8] =	sst s0  }
0x18: {  	s0 =	sld [smem:$0x3F9B];
	_ =	swait.ge [sflag:s4], $0x0  }
0x19: {  	s7 =	sld [smem:$0x3F9C]  }
0x1a: {  	s8 =	sadd.s32 $0xFFFFE003, lr  }
0x1b: {  	s9 =	sadd.s32 $0xFFFFFEF7, lr;
	s5 =	simm.s32 $0xFFFFFFFF;
	p2 =	slt.u32 s8, $0xFFFFF086  }
0x1c: {  	p1 =	slt.u32 s9, $0xF7A;
	s5 =	simm.s32 @!p2 $0x0  }
0x1d: {  	s5 =	simm.s32 @p1 $0x1;
	p0 =	seq.s32 s7, s2  }
0x1e: {  	s7 =	smul.u32 @!p0 $0xF7A, s2;
	p2 =	seq.s32 @!p0 s5, $0x0  }
0x1f: {  	s9 =	smul.u32 $0xF7A, s1;
	s8 =	simm.s32 @!p0 $0x1BF5;
	p2 =	por !p2, p0  }
0x20: {  	[sflag:s8] =	ssyncset.s32 @!p0 $0xFFFFF086;
	s6 =	sadd.s32 @!p0 s3, s7;
	s7 =	simm.s32 @!p0 $0x108  }
0x21: {  	s3 =	sadd.s32 s3, s9;
	s6 =	sadd.s32 @!p0 $0x88, s6;
	s7 =	simm.s32 @p2 $0x1082  }
0x22: {  	[simem:s7], [sflag:s8] =	dma.local @!p0 [hbm:s6], $0xF7A  }
0x23: {  	s9 =	sor.u32 $0xD0000000, s2;
	s6 =	simm.s32 $0x108;
	_ =	swait.ge @!p0 [sflag:s8], $0x0  }
0x24: {  	s3 =	sadd.s32 $0x88, s3;
	s6 =	simm.s32 @!p1 $0x1082;
	[sflag:s4] =	ssyncset.s32 $0xFFFFF086  }
0x25: {  	[simem:s6], [sflag:s4] =	dma.local [hbm:s3], $0xF7A  }
0x26: {  	[smem:$0x3F9C] =	sst s1;
	(tag) =	ssettag s2;
	_ =	strace s9  }
0x27: {  	s1 =	sld [smem:$0x3FAC]  }
0x28: {  	s2 =	sld [smem:$0x3FAD]  }
0x29: {  	s4 =	sld [smem:$0x3FAF]  }
0x2a: {  	p0 =	seq.s32 s5, $0x0;
	s5 =	sld [smem:$0x3FB0]  }
0x2b: {  	s6 =	sld [smem:$0x3FB1]  }
0x2c: {  	s7 =	sld [smem:$0x3FB2]  }
0x2d: {  	s3 =	simm.s32 $0x108;
	s8 =	sld [smem:$0x3FB3]  }
0x2e: {  	s3 =	simm.s32 @!p0 $0x1082;
	s9 =	sld [smem:$0x3FB4]  }
0x2f: {  	lr =	sadd.s32 s0, s3;
	s0 =	sld [smem:$0x3FAB]  }
0x30: {  	s3 =	sld [smem:$0x3FAE]  }
0x31: {  	[smem:$0x3FB7] =	sst s10  }
0x32: {  	s10 =	sld [smem:$0x3FB5];
	_ =	sdelay $0x3  }
0x33: {  	p0 =	seq.s32 s10, $0x1;
	s10 =	sld [smem:$0x3FB7];
	_ =	sdelay $0x3  }
0x34: {  	[smem:$0x3FB7] =	sst s10  }
0x35: {  	s10 =	sld [smem:$0x3FB6];
	_ =	sdelay $0x3  }
0x36: {  	p1 =	seq.s32 s10, $0x1;
	s10 =	sld [smem:$0x3FB7];
	_ =	sdelay $0x3  }
0x37: {  	[smem:$0x3FB7] =	sst s10  }
0x38: {  	s10 =	sld [smem:$0x3FB8]  }
0x39: {  	_ = 	snop;
	(pc) =	sbr.ind lr, $3  }
0x3a: {  	_ = 	snop  }
0x3b: {  	_ = 	snop  }
0x3c: {  	p2 =	seq.s32 s10, $0x1;
	s10 =	sld [smem:$0x3FB7]  }
0x3d: {  	_ =	shalt  }
0x3e: {  	_ =	shalt  }
0x3f: {  	_ =	shalt  }
0x40: {  	_ =	shalt  }
0x41: {  	_ =	shalt  }
0x42: {  	_ =	shalt  }
0x43: {  	_ =	shalt  }
0x44: {  	_ =	shalt  }
0x45: {  	_ =	shalt  }
0x46: {  	_ =	shalt  }
0x47: {  	_ =	shalt  }
0x48: {  	_ =	shalt  }
0x49: {  	_ =	shalt  }
0x4a: {  	_ =	shalt  }
0x4b: {  	_ =	shalt  }
0x4c: {  	_ =	shalt  }
0x4d: {  	_ =	shalt  }
0x4e: {  	_ =	shalt  }
0x4f: {  	_ =	shalt  }
0x50: {  	_ =	shalt  }
0x51: {  	_ =	shalt  }
0x52: {  	_ =	shalt  }
0x53: {  	_ =	shalt  }
0x54: {  	_ =	shalt  }
0x55: {  	_ =	shalt  }
0x56: {  	_ =	shalt  }
0x57: {  	_ =	shalt  }
0x58: {  	_ =	shalt  }
0x59: {  	_ =	shalt  }
0x5a: {  	_ =	shalt  }
0x5b: {  	_ =	shalt  }
0x5c: {  	_ =	shalt  }
0x5d: {  	_ =	shalt  }
0x5e: {  	_ =	shalt  }
0x5f: {  	_ =	shalt  }
0x60: {  	_ =	shalt  }
0x61: {  	_ =	shalt  }
0x62: {  	_ =	shalt  }
0x63: {  	_ =	shalt  }
0x64: {  	_ =	shalt  }
0x65: {  	_ =	shalt  }
0x66: {  	_ =	shalt  }
0x67: {  	_ =	shalt  }
0x68: {  	_ =	shalt  }
0x69: {  	_ =	shalt  }
0x6a: {  	_ =	shalt  }
0x6b: {  	_ =	shalt  }
0x6c: {  	_ =	shalt  }
0x6d: {  	_ =	shalt  }
0x6e: {  	_ =	shalt  }
0x6f: {  	_ =	shalt  }
0x70: {  	_ =	shalt  }
0x71: {  	_ =	shalt  }
0x72: {  	_ =	shalt  }
0x73: {  	_ =	shalt  }
0x74: {  	_ =	shalt  }
0x75: {  	_ =	shalt  }
0x76: {  	_ =	shalt  }
0x77: {  	_ =	shalt  }
0x78: {  	_ =	shalt  }
0x79: {  	_ =	shalt  }
0x7a: {  	_ =	shalt  }
0x7b: {  	_ =	shalt  }
0x7c: {  	_ =	shalt  }
0x7d: {  	_ =	shalt  }
0x7e: {  	_ =	shalt  }
0x7f: {  	_ =	shalt  }
0x80: {  	_ =	shalt  }
0x81: {  	_ =	shalt  }
0x82: {  	_ =	shalt  }
0x83: {  	_ =	shalt  }
0x84: {  	_ =	shalt  }
0x85: {  	_ =	shalt  }
0x86: {  	_ =	shalt  }
0x87: {  	_ =	shalt  }
.Lfunc_end0:
.L_simem_size_0:
called_computation_lowered:
.L_overlay_start_0:
0x88: {  	s2 =	sld [smem:$0x3FD9]  }
0x89: {  	s3 =	sld [smem:$0x3FFE];
	_ =	sdelay $0x1  }
0x8a: {  	s1 =	srdreg.scid  }
0x8b: {  	s0 =	sand.u32 $0x1, s1  }
0x8c: {  	s17 =	sshll.u32 s0, $0xA;
	s2 =	sadd.s32 s3, s2  }
0x8d: {  	s2 =	sadd.s32 s2, s17  }
0x8e: {  	[smem:$0x3FC3] =	sst s2  }
0x8f: {  	_ = 	snop  }
0x90: {  	s2 =	sld [smem:$0x3FD0];
	(tm) =	ssettm $0x1  }
0x91: {  	s18 =	sld [smem:$0x3FFB];
	_ =	sdelay $0x3  }
0x92: {  	_ =	strace s18  }
0x93: {  	s3 =	sld [smem:$0x3FFC];
	_ =	sdelay $0x3  }
0x94: {  	_ =	strace s3  }
0x95: {  	s3 =	sld [smem:$0x3FFD];
	_ =	sdelay $0x3  }
0x96: {  	_ =	strace s3  }
0x97: {  	_ =	strace $0x8FFFFFFF  }
0x98: {  	s19 =	sld [smem:$0x3FDB];
	_ =	sdelay $0x1  }
0x99: {  	s4 =	simm.s32 $_scs_section_size  }
0x9a: {  	s5 =	simm.s32 $_size__tile_overlayer_lowered;
	s6 =	simm.s32 $_tile_overlayer_lowered  }
0x9b: {  	s22 =	simm.s32 $0x1BFF;
	s21 =	sshll.u32 s6, $0x1;
	s3 =	sadd.s32 s4, s19  }
0x9c: {  	s7 =	simm.s32 $0x0;
	s20 =	sshll.u32 s5, $0x1;
	s5 =	sadd.s32 s21, s3  }
0x9d: {  	[timem:s7], [sflag:s22] =	dma.local [hbm:s5], s20  }
0x9e: {  	_ =	swait.ge [sflag:s22], s20  }
0x9f: {  	s4 =	ssub.s32 $0x0, s20;
	[sflag:s22] =	ssyncset.done $0x0  }
0xa0: {  	[sflag:s22] =	ssyncadd.s32 s4;
	_ =	sdelay $0x1  }
0xa1: {  	s23 =	simm.s32 $0x1B8B  }
0xa2: {  	_ =	swait.ge [sflag:s23], $0x1  }
0xa3: {  	[sflag:s23] =	ssyncset.done $0x0  }
0xa4: {  	s25 =	simm.s32 $0x1B8E;
	s24 =	sld [smem:$0x3FFE];
	[sflag:s23] =	ssyncadd.s32 $0xFFFFFFFF  }
0xa5: {  	s26 =	simm.s32 $execute0_lowered;
	[smem:$0x3FD2] =	sst s25  }
0xa6: {  	s5 =	sshll.u32 s26, $0x1;
	_ =	strace $0x80000046;
	[dreg:$0x1] =	wrdreg $0xFFFFFFFF  }
0xa7: {  	s28 =	simm.s32 $_size_execute0_lowered;
	s3 =	sadd.s32 s3, s5;
	[dreg:$0x0] =	wrdreg $0x0  }
0xa8: {  	s5 =	sshll.u32 s28, $0x1;
	[dreg:$0x2] =	wrdreg s3  }
0xa9: {  	[dreg:$0x3] =	wrdreg s5  }
0xaa: {  	[dreg:$0x4] =	wrdreg $0xC0  }
0xab: {  	_ =	task [dreg:s7], $0x5FFFF  }
0xac: {  	[dreg:$0x1] =	wrdreg $0xFFFFFFFF  }
0xad: {  	[dreg:$0x0] =	wrdreg $0x60  }
0xae: {  	[dreg:$0x2] =	wrdreg s2  }
0xaf: {  	[dreg:$0x3] =	wrdreg s24  }
0xb0: {  	[dreg:$0x4] =	wrdreg $0x9  }
0xb1: {  	_ =	task.clear_ibuf [dreg:s7], $0x5FFFF;
	_ =	strace $0x90000046  }
0xb2: {  	s29 =	simm.s32 $0x9;
	_ =	strace $0x80000048  }
0xb3: {  	_ =	swait.ge [sflag:s29], $0x1  }
0xb4: {  	[sflag:s29] =	ssyncadd.s32 $0xFFFFFFFF  }
0xb5: {  	_ =	strace $0x90000048  }
0xb6: {  	_ =	sfence  }
0xb7: {  	s30 =	sld [smem:$0x0];
	_ =	sdelay $0x2  }
0xb8: {  	s31 =	sshll.u32 s1, $0xD;
	s1 =	sshrl.u32 s1, $0x2  }
0xb9: {  	s3 =	sand.u32 $0x4000, s31;
	s1 =	sadd.s32 s1, s30  }
0xba: {  	s0 =	sor.u32 s3, s0;
	s1 =	sshll.u32 s1, $0x11  }
0xbb: {  	s0 =	sor.u32 s1, s0  }
0xbc: {  	s0 =	sadd.s32 $0x8F2B, s0  }
0xbd: {  	[sflag:s0] =	ssyncadd.remote.s32 $0x1  }
0xbe: {  	_ =	sfence.sel $0xFFFF  }
0xbf: {  	[dreg:$0x0] =	wrdreg $0xFFFFFFFF;
	(pc) =	sbr.abs _section_cstart, $3  }
0xc0: {  	[dreg:$0x1] =	wrdreg $0xFFFFFFFF  }
0xc1: {  	_ =	task.clear_ibuf [dreg:s7], $0x2FFFF;
	_ =	strace $0x9FFFFFFF  }
0xc2: {  	(tm) =	ssettm $0x7FFFFFFF  }
0xc3: {  	_ =	shalt  }
tec
execute0_lowered:
.L_overlay_start_1:
0x0: {  	(tag) =	ssettag $0x1  }
0x1: {  	s1 =	rddreg [dreg:$0x0]  }
0x2: {  	s4 =	rddreg [dreg:$0x1];
	s2 =	srdreg.scid  }
0x3: {  	s0 =	rddreg [dreg:$0x2];
	s3 =	simm.s32 $0x0;
	s9 =	simm.s32 $0x6400  }
0x4: {  	s10 =	simm.s32 $0x6C00;
	s11 =	simm.s32 $0x7400;
	s12 =	simm.s32 $0x7C00  }
0x5: {  	s13 =	simm.s32 $0x8400;
	s14 =	simm.s32 $0x8C00;
	s15 =	simm.s32 $0x9400  }
0x6: {  	s16 =	simm.s32 $0x9C00;
	s17 =	simm.s32 $0x1;
	s5 =	sand.u32 $0x1, s2  }
0x7: {  	s18 =	simm.s32 $0x0;
	s2 =	stileid.u32;
	s6 =	smul.u32 $0x640000, s5  }
0x8: {  	[smem:$0x7FF] =	sst s3;
	s7 =	sshll.u32 s5, $0x4;
	s8 =	smul.u32 $0x64000, s2  }
0x9: {  	s5 =	ssub.s32 $0x2, s5;
	_ =	strace $0x80000047;
	s7 =	sor.u32 s2, s7  }
0xa: {  	s31 =	sshrl.u32 s5, $0x1;
	s7 =	smul.u32 $0xC80, s7;
	s6 =	sadd.s32 s8, s6  }
0xb: {  	s5 =	ssub.s32 s5, s31;
	s8 =	simm.s32 $0x80;
	s6 =	sshrl.u32 s6, $0x3  }
0xc: {  	s5 =	smax.u32 s5, $0x1;
	s7 =	sadd.s32 s7, s4;
	s6 =	sadd.s32 s6, s4  }
0xd: {  	s4 =	sadd.s32 $0x1200, s7;
	s6 =	sadd.s32 $0x33200, s6;
	s7 =	simm.s32 $0x2  }
.LBB2_1:
0xe: {  	[tilespmem:s3], [sflag:$0x2] =	stream.linear.gather [hbm4b:s4+s3], $0x6400, $0x38;
	[tilespmem:$0xA400] =	vst v63  }
0xf: {  	_ =	swait.ge [sflag:s7], $0x6400  }
0x10: {  	[sflag:s7] =	ssyncset.done $0x0  }
0x11: {  	s19 =	simm.s32 $0x0;
	[sflag:s7] =	ssyncadd.s32 $0xFFFF9C00  }
0x12: {  	[tilespmem:s9], [sflag:$0x1] =	stream.indirect.gather [hbm4b:s1+s8], $0x10, s19, s8, $0xb8;
	[tilespmem:$0xA400] =	vst v63  }
0x13: {  	s24 =	simm.s32 $0x80  }
0x14: {  	[tilespmem:s10], [sflag:$0x1] =	stream.indirect.gather [hbm4b:s1+s8], $0x10, s24, s8, $0xb8;
	[tilespmem:$0xA400] =	vst v63  }
0x15: {  	s25 =	simm.s32 $0x100  }
0x16: {  	[tilespmem:s11], [sflag:$0x1] =	stream.indirect.gather [hbm4b:s1+s8], $0x10, s25, s8, $0xb8;
	[tilespmem:$0xA400] =	vst v63  }
0x17: {  	s26 =	simm.s32 $0x180  }
0x18: {  	[tilespmem:s12], [sflag:$0x1] =	stream.indirect.gather [hbm4b:s1+s8], $0x10, s26, s8, $0xb8;
	[tilespmem:$0xA400] =	vst v63  }
0x19: {  	s28 =	simm.s32 $0x200  }
0x1a: {  	[tilespmem:s13], [sflag:$0x1] =	stream.indirect.gather [hbm4b:s1+s8], $0x10, s28, s8, $0xb8;
	[tilespmem:$0xA400] =	vst v63  }
0x1b: {  	s29 =	simm.s32 $0x280  }
0x1c: {  	[tilespmem:s14], [sflag:$0x1] =	stream.indirect.gather [hbm4b:s1+s8], $0x10, s29, s8, $0xb8;
	[tilespmem:$0xA400] =	vst v63  }
0x1d: {  	s30 =	simm.s32 $0x300  }
0x1e: {  	[tilespmem:s15], [sflag:$0x1] =	stream.indirect.gather [hbm4b:s1+s8], $0x10, s30, s8, $0xb8;
	[tilespmem:$0xA400] =	vst v63  }
0x1f: {  	s31 =	simm.s32 $0x380  }
0x20: {  	[tilespmem:s16], [sflag:$0x1] =	stream.indirect.gather [hbm4b:s1+s8], $0x10, s31, s8, $0xb8;
	[tilespmem:$0xA400] =	vst v63  }
0x21: {  	_ =	swait.ge [sflag:s17], $0x800  }
0x22: {  	[sflag:s17] =	ssyncset.done $0x0  }
0x23: {  	[sflag:s17] =	ssyncadd.s32 $0xFFFFF800  }
0x24: {  	_ =	swait.ge [sflag:s17], $0x800  }
0x25: {  	[sflag:s17] =	ssyncset.done $0x0  }
0x26: {  	[sflag:s17] =	ssyncadd.s32 $0xFFFFF800  }
0x27: {  	_ =	swait.ge [sflag:s17], $0x800  }
0x28: {  	[sflag:s17] =	ssyncset.done $0x0  }
0x29: {  	[sflag:s17] =	ssyncadd.s32 $0xFFFFF800  }
0x2a: {  	_ =	swait.ge [sflag:s17], $0x800  }
0x2b: {  	[sflag:s17] =	ssyncset.done $0x0  }
0x2c: {  	[sflag:s17] =	ssyncadd.s32 $0xFFFFF800  }
0x2d: {  	_ =	swait.ge [sflag:s17], $0x800  }
0x2e: {  	[sflag:s17] =	ssyncset.done $0x0  }
0x2f: {  	[sflag:s17] =	ssyncadd.s32 $0xFFFFF800  }
0x30: {  	_ =	swait.ge [sflag:s17], $0x800  }
0x31: {  	[sflag:s17] =	ssyncset.done $0x0  }
0x32: {  	[sflag:s17] =	ssyncadd.s32 $0xFFFFF800  }
0x33: {  	_ =	swait.ge [sflag:s17], $0x800  }
0x34: {  	[sflag:s17] =	ssyncset.done $0x0  }
0x35: {  	[sflag:s17] =	ssyncadd.s32 $0xFFFFF800  }
0x36: {  	_ =	swait.ge [sflag:s17], $0x800  }
0x37: {  	[sflag:s17] =	ssyncset.done $0x0  }
0x38: {  	[sflag:s17] =	ssyncadd.s32 $0xFFFFF800  }
0x39: {  	[hbm4b:s6+s3] =	stream.linear.scatter [tilespmem:s9], [sflag:$0x2], $0x4000, $0x38;
	[tilespmem:$0xA400] =	vst v63  }
0x3a: {  	s20 =	simm.s32 $0x1000;
	_ =	swait.ge [sflag:s7], $0x4000  }
0x3b: {  	s22 =	simm.s32 $0x2000;
	s19 =	sadd.s32 $0x800, s6;
	[sflag:s7] =	ssyncset.done $0x0  }
.LBB2_2:
0x3c: {  	s23 =	sshra.s32 s20, $0x2  }
0x3d: {  	[sflag:s7] =	ssyncadd.s32 $0xFFFFC000;
	s20 =	smov.u32 s22;
	s21 =	sadd.s32 $0x1000, s22  }
0x3e: {  	[tilespmem:s9], [sflag:$0x1] =	stream.indirect.gather [hbm4b:s1+s8], $0x10, s23, s8, $0xb8;
	[tilespmem:$0xA400] =	vst v63  }
0x3f: {  	p0 =	sne.s32 s22, $0x18000;
	s22 =	sadd.s32 $0x80, s23  }
0x40: {  	[tilespmem:s10], [sflag:$0x1] =	stream.indirect.gather [hbm4b:s1+s8], $0x10, s22, s8, $0xb8;
	[tilespmem:$0xA400] =	vst v63  }
0x41: {  	s22 =	sadd.s32 $0x100, s23  }
0x42: {  	[tilespmem:s11], [sflag:$0x1] =	stream.indirect.gather [hbm4b:s1+s8], $0x10, s22, s8, $0xb8;
	[tilespmem:$0xA400] =	vst v63  }
0x43: {  	s22 =	sadd.s32 $0x180, s23  }
0x44: {  	[tilespmem:s12], [sflag:$0x1] =	stream.indirect.gather [hbm4b:s1+s8], $0x10, s22, s8, $0xb8;
	[tilespmem:$0xA400] =	vst v63  }
0x45: {  	s22 =	sadd.s32 $0x200, s23  }
0x46: {  	[tilespmem:s13], [sflag:$0x1] =	stream.indirect.gather [hbm4b:s1+s8], $0x10, s22, s8, $0xb8;
	[tilespmem:$0xA400] =	vst v63  }
0x47: {  	s22 =	sadd.s32 $0x280, s23  }
0x48: {  	[tilespmem:s14], [sflag:$0x1] =	stream.indirect.gather [hbm4b:s1+s8], $0x10, s22, s8, $0xb8;
	[tilespmem:$0xA400] =	vst v63  }
0x49: {  	s22 =	sadd.s32 $0x300, s23  }
0x4a: {  	[tilespmem:s15], [sflag:$0x1] =	stream.indirect.gather [hbm4b:s1+s8], $0x10, s22, s8, $0xb8;
	[tilespmem:$0xA400] =	vst v63  }
0x4b: {  	s22 =	sadd.s32 $0x380, s23  }
0x4c: {  	[tilespmem:s16], [sflag:$0x1] =	stream.indirect.gather [hbm4b:s1+s8], $0x10, s22, s8, $0xb8;
	[tilespmem:$0xA400] =	vst v63  }
0x4d: {  	_ =	swait.ge [sflag:s17], $0x800  }
0x4e: {  	[sflag:s17] =	ssyncset.done $0x0  }
0x4f: {  	[sflag:s17] =	ssyncadd.s32 $0xFFFFF800  }
0x50: {  	_ =	swait.ge [sflag:s17], $0x800  }
0x51: {  	[sflag:s17] =	ssyncset.done $0x0  }
0x52: {  	[sflag:s17] =	ssyncadd.s32 $0xFFFFF800  }
0x53: {  	_ =	swait.ge [sflag:s17], $0x800  }
0x54: {  	[sflag:s17] =	ssyncset.done $0x0  }
0x55: {  	[sflag:s17] =	ssyncadd.s32 $0xFFFFF800  }
0x56: {  	_ =	swait.ge [sflag:s17], $0x800  }
0x57: {  	[sflag:s17] =	ssyncset.done $0x0  }
0x58: {  	[sflag:s17] =	ssyncadd.s32 $0xFFFFF800  }
0x59: {  	_ =	swait.ge [sflag:s17], $0x800  }
0x5a: {  	[sflag:s17] =	ssyncset.done $0x0  }
0x5b: {  	[sflag:s17] =	ssyncadd.s32 $0xFFFFF800  }
0x5c: {  	_ =	swait.ge [sflag:s17], $0x800  }
0x5d: {  	[sflag:s17] =	ssyncset.done $0x0  }
0x5e: {  	[sflag:s17] =	ssyncadd.s32 $0xFFFFF800  }
0x5f: {  	_ =	swait.ge [sflag:s17], $0x800  }
0x60: {  	[sflag:s17] =	ssyncset.done $0x0  }
0x61: {  	[sflag:s17] =	ssyncadd.s32 $0xFFFFF800  }
0x62: {  	_ =	swait.ge [sflag:s17], $0x800  }
.Ltmp0:
0x63: {  	[sflag:s17] =	ssyncset.done $0x0;
	(pc) =	sbr.rel @p0 .LBB2_2-.Ltmp0, $4  }
0x64: {  	[sflag:s17] =	ssyncadd.s32 $0xFFFFF800  }
0x65: {  	[hbm4b:s19+s3] =	stream.linear.scatter [tilespmem:s9], [sflag:$0x2], $0x4000, $0x38;
	[tilespmem:$0xA400] =	vst v63  }
0x66: {  	_ =	swait.ge [sflag:s7], $0x4000  }
0x67: {  	s22 =	smov.u32 s21;
	s19 =	sadd.s32 $0x800, s19;
	[sflag:s7] =	ssyncset.done $0x0  }
0x68: {  	s20 =	sshra.s32 s20, $0x2;
	[sflag:s7] =	ssyncadd.s32 $0xFFFFC000  }
0x69: {  	[tilespmem:s9], [sflag:$0x1] =	stream.indirect.gather [hbm4b:s1+s8], $0x10, s20, s8, $0xb8;
	[tilespmem:$0xA400] =	vst v63  }
0x6a: {  	s21 =	sadd.s32 $0x80, s20  }
0x6b: {  	[tilespmem:s10], [sflag:$0x1] =	stream.indirect.gather [hbm4b:s1+s8], $0x10, s21, s8, $0xb8;
	[tilespmem:$0xA400] =	vst v63  }
0x6c: {  	s26 =	sadd.s32 $0x100, s20  }
0x6d: {  	[tilespmem:s11], [sflag:$0x1] =	stream.indirect.gather [hbm4b:s1+s8], $0x10, s26, s8, $0xb8;
	[tilespmem:$0xA400] =	vst v63  }
0x6e: {  	s28 =	sadd.s32 $0x180, s20  }
0x6f: {  	[tilespmem:s12], [sflag:$0x1] =	stream.indirect.gather [hbm4b:s1+s8], $0x10, s28, s8, $0xb8;
	[tilespmem:$0xA400] =	vst v63  }
0x70: {  	s29 =	sadd.s32 $0x200, s20  }
0x71: {  	[tilespmem:s13], [sflag:$0x1] =	stream.indirect.gather [hbm4b:s1+s8], $0x10, s29, s8, $0xb8;
	[tilespmem:$0xA400] =	vst v63  }
0x72: {  	s30 =	sadd.s32 $0x280, s20  }
0x73: {  	[tilespmem:s14], [sflag:$0x1] =	stream.indirect.gather [hbm4b:s1+s8], $0x10, s30, s8, $0xb8;
	[tilespmem:$0xA400] =	vst v63  }
0x74: {  	s31 =	sadd.s32 $0x300, s20  }
0x75: {  	[tilespmem:s15], [sflag:$0x1] =	stream.indirect.gather [hbm4b:s1+s8], $0x10, s31, s8, $0xb8;
	[tilespmem:$0xA400] =	vst v63  }
0x76: {  	s20 =	sadd.s32 $0x380, s20  }
0x77: {  	[tilespmem:s16], [sflag:$0x1] =	stream.indirect.gather [hbm4b:s1+s8], $0x10, s20, s8, $0xb8;
	[tilespmem:$0xA400] =	vst v63  }
0x78: {  	_ =	swait.ge [sflag:s17], $0x800  }
0x79: {  	[sflag:s17] =	ssyncset.done $0x0  }
0x7a: {  	[sflag:s17] =	ssyncadd.s32 $0xFFFFF800  }
0x7b: {  	_ =	swait.ge [sflag:s17], $0x800  }
0x7c: {  	[sflag:s17] =	ssyncset.done $0x0  }
0x7d: {  	[sflag:s17] =	ssyncadd.s32 $0xFFFFF800  }
0x7e: {  	_ =	swait.ge [sflag:s17], $0x800  }
0x7f: {  	[sflag:s17] =	ssyncset.done $0x0  }
0x80: {  	[sflag:s17] =	ssyncadd.s32 $0xFFFFF800  }
0x81: {  	_ =	swait.ge [sflag:s17], $0x800  }
0x82: {  	[sflag:s17] =	ssyncset.done $0x0  }
0x83: {  	[sflag:s17] =	ssyncadd.s32 $0xFFFFF800  }
0x84: {  	_ =	swait.ge [sflag:s17], $0x800  }
0x85: {  	[sflag:s17] =	ssyncset.done $0x0  }
0x86: {  	[sflag:s17] =	ssyncadd.s32 $0xFFFFF800  }
0x87: {  	_ =	swait.ge [sflag:s17], $0x800  }
0x88: {  	[sflag:s17] =	ssyncset.done $0x0  }
0x89: {  	[sflag:s17] =	ssyncadd.s32 $0xFFFFF800  }
0x8a: {  	_ =	swait.ge [sflag:s17], $0x800  }
0x8b: {  	[sflag:s17] =	ssyncset.done $0x0  }
0x8c: {  	[sflag:s17] =	ssyncadd.s32 $0xFFFFF800  }
0x8d: {  	s18 =	sadd.s32 $0x1, s18;
	_ =	swait.ge [sflag:s17], $0x800  }
0x8e: {  	p0 =	sne.s32 s18, s5;
	[sflag:s17] =	ssyncset.done $0x0  }
.Ltmp1:
0x8f: {  	[sflag:s17] =	ssyncadd.s32 $0xFFFFF800;
	(pc) =	sbr.rel @p0 .LBB2_1-.Ltmp1, $4  }
0x90: {  	[hbm4b:s19+s3] =	stream.linear.scatter [tilespmem:s9], [sflag:$0x2], $0x4000, $0x38;
	[tilespmem:$0xA400] =	vst v63  }
0x91: {  	_ =	swait.ge [sflag:s7], $0x4000  }
0x92: {  	[sflag:s7] =	ssyncset.done $0x0  }
0x93: {  	[sflag:s7] =	ssyncadd.s32 $0xFFFFC000  }
0x94: {  	_ =	sfence.sel $0x180000  }
0x95: {  	[bflag:$0x0] =	sbarrier.arrive $0xFFFF  }
0x96: {  	p0 =	sne.s32 s2, $0x0;
	_ =	strace $0x90000047  }
0x97: {  	s0 =	sadd.s32 @!p0 $0x100000, s0;
	[bflag:$0x2] =	sbarrier.arrive $0xFFFF  }
0x98: {  	[sflag:s0] =	ssyncadd.tile.s32 @!p0 $0x1;
	_ =	shalt  }
.Lfunc_end2:
_tile_overlayer_lowered:
.L_overlay_start_2:
0x99: {  	(tag) =	ssettag $0x2  }
0x9a: {  	s0 =	rddreg [dreg:$0x0];
	s2 =	stileid.u32  }
0x9b: {  	s1 =	rddreg [dreg:$0x1];
	p0 =	sne.s32 s2, $0x0  }
0x9c: {  	s3 =	rddreg [dreg:$0x2];
	[bflag:$0x3] =	sbarrier.arrive $0xFFFF;
	s2 =	simm.s32 @!p0 $0x1C02  }
0x9d: {  	[timem:s3], [sflag:s2] =	dma.local @!p0 [hbm:s0], s1  }
0x9e: {  	s0 =	simm.s32 @!p0 $0x2  }
0x9f: {  	_ =	swait.ge @!p0 [sflag:s0], s1  }
0xa0: {  	s1 =	ssub.s32 @!p0 $0x0, s1;
	[sflag:s0] =	ssyncset.done @!p0 $0x0  }
0xa1: {  	[sflag:s0] =	ssyncadd.s32 @!p0 s1  }
0xa2: {  	[bflag:$0x3] =	sbarrier.arrive $0xFFFF  }
0xa3: {  	_ =	shalt  }

// kernel: kernel.9.cloned.1.call-start
scs
__scs_entry_jumppad:
0x0: {  	(pc) =	sbr.rel $0x88, $3  }
0x1: {  	(tag) =	ssettag $0x0;
	lr =	simm.s32 $0x1  }
0x2: {  	[smem:$0x3F9C] =	sst lr;
	_ =	strace $0xD0000000  }
0x3: {  	_ = 	snop  }
0x4: {  	_ = 	snop  }
0x5: {  	_ = 	snop  }
0x6: {  	_ = 	snop  }
0x7: {  	_ = 	snop  }
__scs_overlays_trampoline_lowered:
0x8: {  	[smem:$0x3FAB] =	sst s0  }
0x9: {  	[smem:$0x3FAC] =	sst s1  }
0xa: {  	[smem:$0x3FAD] =	sst s2  }
0xb: {  	[smem:$0x3FAE] =	sst s3  }
0xc: {  	[smem:$0x3FAF] =	sst s4  }
0xd: {  	[smem:$0x3FB0] =	sst s5  }
0xe: {  	[smem:$0x3FB1] =	sst s6  }
0xf: {  	[smem:$0x3FB2] =	sst s7  }
0x10: {  	[smem:$0x3FB3] =	sst s8  }
0x11: {  	[smem:$0x3FB4] =	sst s9;
	s0 =	simm.s32 @!p0 $0x0  }
0x12: {  	s1 =	sld [smem:$0x3F9A];
	s0 =	simm.s32 @p0 $0x1  }
0x13: {  	[smem:$0x3FB5] =	sst s0;
	s0 =	simm.s32 @!p1 $0x0  }
0x14: {  	s2 =	sld [smem:$0x3F99];
	s0 =	simm.s32 @p1 $0x1  }
0x15: {  	[smem:$0x3FB6] =	sst s0;
	s0 =	simm.s32 @!p2 $0x0  }
0x16: {  	s3 =	sld [smem:$0x3FDB];
	s0 =	simm.s32 @p2 $0x1  }
0x17: {  	s4 =	simm.s32 $0x1BF5;
	[smem:$0x3FB8] =	sst s0  }
0x18: {  	s0 =	sld [smem:$0x3F9B];
	_ =	swait.ge [sflag:s4], $0x0  }
0x19: {  	s7 =	sld [smem:$0x3F9C]  }
0x1a: {  	s8 =	sadd.s32 $0xFFFFE003, lr  }
0x1b: {  	s9 =	sadd.s32 $0xFFFFFEF7, lr;
	s5 =	simm.s32 $0xFFFFFFFF;
	p2 =	slt.u32 s8, $0xFFFFF086  }
0x1c: {  	p1 =	slt.u32 s9, $0xF7A;
	s5 =	simm.s32 @!p2 $0x0  }
0x1d: {  	s5 =	simm.s32 @p1 $0x1;
	p0 =	seq.s32 s7, s2  }
0x1e: {  	s7 =	smul.u32 @!p0 $0xF7A, s2;
	p2 =	seq.s32 @!p0 s5, $0x0  }
0x1f: {  	s9 =	smul.u32 $0xF7A, s1;
	s8 =	simm.s32 @!p0 $0x1BF5;
	p2 =	por !p2, p0  }
0x20: {  	[sflag:s8] =	ssyncset.s32 @!p0 $0xFFFFF086;
	s6 =	sadd.s32 @!p0 s3, s7;
	s7 =	simm.s32 @!p0 $0x108  }
0x21: {  	s3 =	sadd.s32 s3, s9;
	s6 =	sadd.s32 @!p0 $0x88, s6;
	s7 =	simm.s32 @p2 $0x1082  }
0x22: {  	[simem:s7], [sflag:s8] =	dma.local @!p0 [hbm:s6], $0xF7A  }
0x23: {  	s9 =	sor.u32 $0xD0000000, s2;
	s6 =	simm.s32 $0x108;
	_ =	swait.ge @!p0 [sflag:s8], $0x0  }
0x24: {  	s3 =	sadd.s32 $0x88, s3;
	s6 =	simm.s32 @!p1 $0x1082;
	[sflag:s4] =	ssyncset.s32 $0xFFFFF086  }
0x25: {  	[simem:s6], [sflag:s4] =	dma.local [hbm:s3], $0xF7A  }
0x26: {  	[smem:$0x3F9C] =	sst s1;
	(tag) =	ssettag s2;
	_ =	strace s9  }
0x27: {  	s1 =	sld [smem:$0x3FAC]  }
0x28: {  	s2 =	sld [smem:$0x3FAD]  }
0x29: {  	s4 =	sld [smem:$0x3FAF]  }
0x2a: {  	p0 =	seq.s32 s5, $0x0;
	s5 =	sld [smem:$0x3FB0]  }
0x2b: {  	s6 =	sld [smem:$0x3FB1]  }
0x2c: {  	s7 =	sld [smem:$0x3FB2]  }
0x2d: {  	s3 =	simm.s32 $0x108;
	s8 =	sld [smem:$0x3FB3]  }
0x2e: {  	s3 =	simm.s32 @!p0 $0x1082;
	s9 =	sld [smem:$0x3FB4]  }
0x2f: {  	lr =	sadd.s32 s0, s3;
	s0 =	sld [smem:$0x3FAB]  }
0x30: {  	s3 =	sld [smem:$0x3FAE]  }
0x31: {  	[smem:$0x3FB7] =	sst s10  }
0x32: {  	s10 =	sld [smem:$0x3FB5];
	_ =	sdelay $0x3  }
0x33: {  	p0 =	seq.s32 s10, $0x1;
	s10 =	sld [smem:$0x3FB7];
	_ =	sdelay $0x3  }
0x34: {  	[smem:$0x3FB7] =	sst s10  }
0x35: {  	s10 =	sld [smem:$0x3FB6];
	_ =	sdelay $0x3  }
0x36: {  	p1 =	seq.s32 s10, $0x1;
	s10 =	sld [smem:$0x3FB7];
	_ =	sdelay $0x3  }
0x37: {  	[smem:$0x3FB7] =	sst s10  }
0x38: {  	s10 =	sld [smem:$0x3FB8]  }
0x39: {  	_ = 	snop;
	(pc) =	sbr.ind lr, $3  }
0x3a: {  	_ = 	snop  }
0x3b: {  	_ = 	snop  }
0x3c: {  	p2 =	seq.s32 s10, $0x1;
	s10 =	sld [smem:$0x3FB7]  }
0x3d: {  	_ =	shalt  }
0x3e: {  	_ =	shalt  }
0x3f: {  	_ =	shalt  }
0x40: {  	_ =	shalt  }
0x41: {  	_ =	shalt  }
0x42: {  	_ =	shalt  }
0x43: {  	_ =	shalt  }
0x44: {  	_ =	shalt  }
0x45: {  	_ =	shalt  }
0x46: {  	_ =	shalt  }
0x47: {  	_ =	shalt  }
0x48: {  	_ =	shalt  }
0x49: {  	_ =	shalt  }
0x4a: {  	_ =	shalt  }
0x4b: {  	_ =	shalt  }
0x4c: {  	_ =	shalt  }
0x4d: {  	_ =	shalt  }
0x4e: {  	_ =	shalt  }
0x4f: {  	_ =	shalt  }
0x50: {  	_ =	shalt  }
0x51: {  	_ =	shalt  }
0x52: {  	_ =	shalt  }
0x53: {  	_ =	shalt  }
0x54: {  	_ =	shalt  }
0x55: {  	_ =	shalt  }
0x56: {  	_ =	shalt  }
0x57: {  	_ =	shalt  }
0x58: {  	_ =	shalt  }
0x59: {  	_ =	shalt  }
0x5a: {  	_ =	shalt  }
0x5b: {  	_ =	shalt  }
0x5c: {  	_ =	shalt  }
0x5d: {  	_ =	shalt  }
0x5e: {  	_ =	shalt  }
0x5f: {  	_ =	shalt  }
0x60: {  	_ =	shalt  }
0x61: {  	_ =	shalt  }
0x62: {  	_ =	shalt  }
0x63: {  	_ =	shalt  }
0x64: {  	_ =	shalt  }
0x65: {  	_ =	shalt  }
0x66: {  	_ =	shalt  }
0x67: {  	_ =	shalt  }
0x68: {  	_ =	shalt  }
0x69: {  	_ =	shalt  }
0x6a: {  	_ =	shalt  }
0x6b: {  	_ =	shalt  }
0x6c: {  	_ =	shalt  }
0x6d: {  	_ =	shalt  }
0x6e: {  	_ =	shalt  }
0x6f: {  	_ =	shalt  }
0x70: {  	_ =	shalt  }
0x71: {  	_ =	shalt  }
0x72: {  	_ =	shalt  }
0x73: {  	_ =	shalt  }
0x74: {  	_ =	shalt  }
0x75: {  	_ =	shalt  }
0x76: {  	_ =	shalt  }
0x77: {  	_ =	shalt  }
0x78: {  	_ =	shalt  }
0x79: {  	_ =	shalt  }
0x7a: {  	_ =	shalt  }
0x7b: {  	_ =	shalt  }
0x7c: {  	_ =	shalt  }
0x7d: {  	_ =	shalt  }
0x7e: {  	_ =	shalt  }
0x7f: {  	_ =	shalt  }
0x80: {  	_ =	shalt  }
0x81: {  	_ =	shalt  }
0x82: {  	_ =	shalt  }
0x83: {  	_ =	shalt  }
0x84: {  	_ =	shalt  }
0x85: {  	_ =	shalt  }
0x86: {  	_ =	shalt  }
0x87: {  	_ =	shalt  }
.Lfunc_end0:
.L_simem_size_0:
called_computation.1_lowered:
.L_overlay_start_0:
0x88: {  	s2 =	sld [smem:$0x3FD9]  }
0x89: {  	s3 =	sld [smem:$0x3FFE];
	_ =	sdelay $0x1  }
0x8a: {  	s1 =	srdreg.scid  }
0x8b: {  	s0 =	sand.u32 $0x1, s1  }
0x8c: {  	s17 =	sshll.u32 s0, $0xA;
	s2 =	sadd.s32 s3, s2  }
0x8d: {  	s2 =	sadd.s32 s2, s17  }
0x8e: {  	[smem:$0x3FC3] =	sst s2  }
0x8f: {  	_ = 	snop  }
0x90: {  	s2 =	sld [smem:$0x3FD0];
	(tm) =	ssettm $0x1  }
0x91: {  	s18 =	sld [smem:$0x3FFB];
	_ =	sdelay $0x3  }
0x92: {  	_ =	strace s18  }
0x93: {  	s3 =	sld [smem:$0x3FFC];
	_ =	sdelay $0x3  }
0x94: {  	_ =	strace s3  }
0x95: {  	s3 =	sld [smem:$0x3FFD];
	_ =	sdelay $0x3  }
0x96: {  	_ =	strace s3  }
0x97: {  	_ =	strace $0x8FFFFFFF  }
0x98: {  	s19 =	sld [smem:$0x3FDB];
	_ =	sdelay $0x1  }
0x99: {  	s4 =	simm.s32 $_scs_section_size  }
0x9a: {  	s5 =	simm.s32 $_size__tile_overlayer_lowered;
	s6 =	simm.s32 $_tile_overlayer_lowered  }
0x9b: {  	s22 =	simm.s32 $0x1BFF;
	s21 =	sshll.u32 s6, $0x1;
	s3 =	sadd.s32 s4, s19  }
0x9c: {  	s7 =	simm.s32 $0x0;
	s20 =	sshll.u32 s5, $0x1;
	s5 =	sadd.s32 s21, s3  }
0x9d: {  	[timem:s7], [sflag:s22] =	dma.local [hbm:s5], s20  }
0x9e: {  	_ =	swait.ge [sflag:s22], s20  }
0x9f: {  	s4 =	ssub.s32 $0x0, s20;
	[sflag:s22] =	ssyncset.done $0x0  }
0xa0: {  	[sflag:s22] =	ssyncadd.s32 s4;
	_ =	sdelay $0x1  }
0xa1: {  	s23 =	simm.s32 $0x1B8B  }
0xa2: {  	_ =	swait.ge [sflag:s23], $0x1  }
0xa3: {  	[sflag:s23] =	ssyncset.done $0x0  }
0xa4: {  	s25 =	simm.s32 $0x1B8E;
	s24 =	sld [smem:$0x3FFE];
	[sflag:s23] =	ssyncadd.s32 $0xFFFFFFFF  }
0xa5: {  	s26 =	simm.s32 $execute0_lowered;
	[smem:$0x3FD2] =	sst s25  }
0xa6: {  	s5 =	sshll.u32 s26, $0x1;
	_ =	strace $0x80000049;
	[dreg:$0x1] =	wrdreg $0xFFFFFFFF  }
0xa7: {  	s28 =	simm.s32 $_size_execute0_lowered;
	s3 =	sadd.s32 s3, s5;
	[dreg:$0x0] =	wrdreg $0x0  }
0xa8: {  	s5 =	sshll.u32 s28, $0x1;
	[dreg:$0x2] =	wrdreg s3  }
0xa9: {  	[dreg:$0x3] =	wrdreg s5  }
0xaa: {  	[dreg:$0x4] =	wrdreg $0xC0  }
0xab: {  	_ =	task [dreg:s7], $0x5FFFF  }
0xac: {  	[dreg:$0x1] =	wrdreg $0xFFFFFFFF  }
0xad: {  	[dreg:$0x0] =	wrdreg $0x60  }
0xae: {  	[dreg:$0x2] =	wrdreg s24  }
0xaf: {  	[dreg:$0x3] =	wrdreg s2  }
0xb0: {  	[dreg:$0x4] =	wrdreg $0x0  }
0xb1: {  	[dreg:$0x5] =	wrdreg $0x9  }
0xb2: {  	_ =	task.clear_ibuf [dreg:s7], $0x6FFFF;
	_ =	strace $0x90000049  }
0xb3: {  	s29 =	simm.s32 $0x9;
	_ =	strace $0x8000004B  }
0xb4: {  	_ =	swait.ge [sflag:s29], $0x1  }
0xb5: {  	[sflag:s29] =	ssyncadd.s32 $0xFFFFFFFF  }
0xb6: {  	_ =	strace $0x9000004B  }
0xb7: {  	_ =	sfence  }
0xb8: {  	s30 =	sld [smem:$0x0];
	_ =	sdelay $0x2  }
0xb9: {  	s31 =	sshll.u32 s1, $0xD;
	s1 =	sshrl.u32 s1, $0x2  }
0xba: {  	s3 =	sand.u32 $0x4000, s31;
	s1 =	sadd.s32 s1, s30  }
0xbb: {  	s0 =	sor.u32 s3, s0;
	s1 =	sshll.u32 s1, $0x11  }
0xbc: {  	s0 =	sor.u32 s1, s0  }
0xbd: {  	s0 =	sadd.s32 $0x8F2B, s0  }
0xbe: {  	[sflag:s0] =	ssyncadd.remote.s32 $0x1  }
0xbf: {  	_ =	sfence.sel $0xFFFF  }
0xc0: {  	[dreg:$0x0] =	wrdreg $0xFFFFFFFF;
	(pc) =	sbr.abs _section_cstart, $3  }
0xc1: {  	[dreg:$0x1] =	wrdreg $0xFFFFFFFF  }
0xc2: {  	_ =	task.clear_ibuf [dreg:s7], $0x2FFFF;
	_ =	strace $0x9FFFFFFF  }
0xc3: {  	(tm) =	ssettm $0x7FFFFFFF  }
tec
execute0_lowered:
.L_overlay_start_1:
0x0: {  	(tag) =	ssettag $0x1  }
0x1: {  	s4 =	rddreg [dreg:$0x0]  }
0x2: {  	s5 =	rddreg [dreg:$0x1]  }
0x3: {  	s1 =	rddreg [dreg:$0x2]  }
0x4: {  	s2 =	srdreg.scid;
	s0 =	rddreg [dreg:$0x3];
	s3 =	simm.s32 $0x0  }
0x5: {  	s13 =	simm.s32 $0x12780;
	s14 =	simm.s32 $0x80;
	s15 =	simm.s32 $0x12F80  }
0x6: {  	s16 =	simm.s32 $0x13780;
	s17 =	simm.s32 $0x13F80;
	s18 =	simm.s32 $0x14780  }
0x7: {  	s19 =	simm.s32 $0x14F80;
	s20 =	simm.s32 $0x15780;
	s6 =	sand.u32 $0x1, s2  }
0x8: {  	s21 =	simm.s32 $0x15F80;
	s2 =	stileid.u32;
	s7 =	smul.u32 $0xC8000, s6  }
0x9: {  	s22 =	simm.s32 $0x0;
	[smem:$0x7FF] =	sst s3;
	s9 =	smul.u32 $0x1870, s2  }
0xa: {  	s8 =	sshll.u32 s6, $0x4;
	_ =	strace $0x8000004A;
	s10 =	smul.u32 $0x18700, s6  }
0xb: {  	s6 =	ssub.s32 $0x2, s6;
	s29 =	smul.u32 $0xC380, s2;
	s31 =	sshll.u32 s2, $0x6  }
0xc: {  	s12 =	smul.u32 $0xC800, s2;
	s8 =	sor.u32 s2, s8;
	s28 =	sshrl.u32 s6, $0x1  }
0xd: {  	s11 =	sadd.s32 s7, s4;
	s25 =	smul.u32 $0xC80, s8;
	s26 =	sadd.s32 s9, s10  }
0xe: {  	s9 =	ssub.s32 s6, s28;
	s30 =	sshrl.u32 s29, $0x3;
	s10 =	sadd.s32 s29, s1  }
0xf: {  	s8 =	sadd.s32 s26, s4;
	s11 =	sadd.s32 s12, s11;
	s10 =	sshrl.u32 s10, $0x3  }
0x10: {  	s12 =	simm.s32 $0xC380;
	s7 =	sadd.s32 s25, s4;
	s4 =	sadd.s32 s5, s30  }
0x11: {  	s5 =	sor.u32 $0x1C01, s31;
	s6 =	sadd.s32 $0x1A200, s7;
	s7 =	sadd.s32 $0x33200, s8  }
0x12: {  	s8 =	smax.u32 s9, $0x1;
	s9 =	sadd.s32 $0x1C3200, s11;
	s11 =	simm.s32 $0x1  }
.LBB2_1:
0x13: {  	[spmem:s10], [sflag:s5] =	dma.local [hbm:s4], $0x1870  }
0x14: {  	_ =	swait.ge [sflag:s11], $0x1870  }
0x15: {  	[sflag:s11] =	ssyncset.done $0x0  }
0x16: {  	[sflag:s11] =	ssyncadd.s32 $0xFFFFE790  }
0x17: {  	[bflag:$0x0] =	sbarrier.arrive $0xFFFF  }
0x18: {  	[tilespmem:s12], [sflag:$0x1] =	stream.linear.gather [hbm4b:s6+s3], $0x6400, $0x38;
	[tilespmem:$0x16780] =	vst v63  }
0x19: {  	_ =	swait.ge [sflag:s11], $0x6400  }
0x1a: {  	[sflag:s11] =	ssyncset.done $0x0  }
0x1b: {  	[sflag:s11] =	ssyncadd.s32 $0xFFFF9C00  }
0x1c: {  	[tilespmem:s13], [sflag:$0x1] =	stream.linear.gather [hbm4b:s9+s3], $0x4000, $0x38;
	[tilespmem:$0x16780] =	vst v63  }
0x1d: {  	_ =	swait.ge [sflag:s11], $0x4000  }
0x1e: {  	[sflag:s11] =	ssyncset.done $0x0  }
0x1f: {  	s23 =	simm.s32 $0xC380;
	[sflag:s11] =	ssyncadd.s32 $0xFFFFC000  }
0x20: {  	[spmem:s1] =	stream.indirect.scatter.add.f32 [tilespmem:s13], [sflag:$0x1], $0x10, s23, s14, $0xb8;
	[tilespmem:$0x16780] =	vst v63  }
0x21: {  	_ =	swait.ge [sflag:s11], $0x800  }
0x22: {  	[sflag:s11] =	ssyncset.done $0x0  }
0x23: {  	s24 =	simm.s32 $0xC400;
	[sflag:s11] =	ssyncadd.s32 $0xFFFFF800  }
0x24: {  	[spmem:s1] =	stream.indirect.scatter.add.f32 [tilespmem:s15], [sflag:$0x1], $0x10, s24, s14, $0xb8;
	[tilespmem:$0x16780] =	vst v63  }
0x25: {  	_ =	swait.ge [sflag:s11], $0x800  }
0x26: {  	[sflag:s11] =	ssyncset.done $0x0  }
0x27: {  	s25 =	simm.s32 $0xC480;
	[sflag:s11] =	ssyncadd.s32 $0xFFFFF800  }
0x28: {  	[spmem:s1] =	stream.indirect.scatter.add.f32 [tilespmem:s16], [sflag:$0x1], $0x10, s25, s14, $0xb8;
	[tilespmem:$0x16780] =	vst v63  }
0x29: {  	_ =	swait.ge [sflag:s11], $0x800  }
0x2a: {  	[sflag:s11] =	ssyncset.done $0x0  }
0x2b: {  	s26 =	simm.s32 $0xC500;
	[sflag:s11] =	ssyncadd.s32 $0xFFFFF800  }
0x2c: {  	[spmem:s1] =	stream.indirect.scatter.add.f32 [tilespmem:s17], [sflag:$0x1], $0x10, s26, s14, $0xb8;
	[tilespmem:$0x16780] =	vst v63  }
0x2d: {  	_ =	swait.ge [sflag:s11], $0x800  }
0x2e: {  	[sflag:s11] =	ssyncset.done $0x0  }
0x2f: {  	s28 =	simm.s32 $0xC580;
	[sflag:s11] =	ssyncadd.s32 $0xFFFFF800  }
0x30: {  	[spmem:s1] =	stream.indirect.scatter.add.f32 [tilespmem:s18], [sflag:$0x1], $0x10, s28, s14, $0xb8;
	[tilespmem:$0x16780] =	vst v63  }
0x31: {  	_ =	swait.ge [sflag:s11], $0x800  }
0x32: {  	[sflag:s11] =	ssyncset.done $0x0  }
0x33: {  	s29 =	simm.s32 $0xC600;
	[sflag:s11] =	ssyncadd.s32 $0xFFFFF800  }
0x34: {  	[spmem:s1] =	stream.indirect.scatter.add.f32 [tilespmem:s19], [sflag:$0x1], $0x10, s29, s14, $0xb8;
	[tilespmem:$0x16780] =	vst v63  }
0x35: {  	_ =	swait.ge [sflag:s11], $0x800  }
0x36: {  	[sflag:s11] =	ssyncset.done $0x0  }
0x37: {  	s30 =	simm.s32 $0xC680;
	[sflag:s11] =	ssyncadd.s32 $0xFFFFF800  }
0x38: {  	[spmem:s1] =	stream.indirect.scatter.add.f32 [tilespmem:s20], [sflag:$0x1], $0x10, s30, s14, $0xb8;
	[tilespmem:$0x16780] =	vst v63  }
0x39: {  	_ =	swait.ge [sflag:s11], $0x800  }
0x3a: {  	[sflag:s11] =	ssyncset.done $0x0  }
0x3b: {  	s31 =	simm.s32 $0xC700;
	[sflag:s11] =	ssyncadd.s32 $0xFFFFF800  }
0x3c: {  	[spmem:s1] =	stream.indirect.scatter.add.f32 [tilespmem:s21], [sflag:$0x1], $0x10, s31, s14, $0xb8;
	[tilespmem:$0x16780] =	vst v63  }
0x3d: {  	_ =	swait.ge [sflag:s11], $0x800  }
0x3e: {  	s23 =	simm.s32 $0x1000;
	s24 =	smov.u32 s9;
	[sflag:s11] =	ssyncset.done $0x0  }
.LBB2_2:
0x3f: {  	p0 =	sne.s32 s23, $0x18000;
	[sflag:s11] =	ssyncadd.s32 $0xFFFFF800;
	s24 =	sadd.s32 $0x800, s24  }
0x40: {  	[tilespmem:s13], [sflag:$0x1] =	stream.linear.gather [hbm4b:s24+s3], $0x4000, $0x38;
	[tilespmem:$0x16780] =	vst v63  }
0x41: {  	s25 =	smov.u32 s23;
	s23 =	sadd.s32 $0x1000, s23;
	_ =	swait.ge [sflag:s11], $0x4000  }
0x42: {  	s25 =	sshra.s32 s25, $0x2;
	[sflag:s11] =	ssyncset.done $0x0  }
0x43: {  	s26 =	sadd.s32 $0xC380, s25;
	[sflag:s11] =	ssyncadd.s32 $0xFFFFC000  }
0x44: {  	[spmem:s1] =	stream.indirect.scatter.add.f32 [tilespmem:s13], [sflag:$0x1], $0x10, s26, s14, $0xb8;
	[tilespmem:$0x16780] =	vst v63  }
0x45: {  	_ =	swait.ge [sflag:s11], $0x800  }
0x46: {  	[sflag:s11] =	ssyncset.done $0x0  }
0x47: {  	s26 =	sadd.s32 $0xC400, s25;
	[sflag:s11] =	ssyncadd.s32 $0xFFFFF800  }
0x48: {  	[spmem:s1] =	stream.indirect.scatter.add.f32 [tilespmem:s15], [sflag:$0x1], $0x10, s26, s14, $0xb8;
	[tilespmem:$0x16780] =	vst v63  }
0x49: {  	_ =	swait.ge [sflag:s11], $0x800  }
0x4a: {  	[sflag:s11] =	ssyncset.done $0x0  }
0x4b: {  	s26 =	sadd.s32 $0xC480, s25;
	[sflag:s11] =	ssyncadd.s32 $0xFFFFF800  }
0x4c: {  	[spmem:s1] =	stream.indirect.scatter.add.f32 [tilespmem:s16], [sflag:$0x1], $0x10, s26, s14, $0xb8;
	[tilespmem:$0x16780] =	vst v63  }
0x4d: {  	_ =	swait.ge [sflag:s11], $0x800  }
0x4e: {  	[sflag:s11] =	ssyncset.done $0x0  }
0x4f: {  	s26 =	sadd.s32 $0xC500, s25;
	[sflag:s11] =	ssyncadd.s32 $0xFFFFF800  }
0x50: {  	[spmem:s1] =	stream.indirect.scatter.add.f32 [tilespmem:s17], [sflag:$0x1], $0x10, s26, s14, $0xb8;
	[tilespmem:$0x16780] =	vst v63  }
0x51: {  	_ =	swait.ge [sflag:s11], $0x800  }
0x52: {  	[sflag:s11] =	ssyncset.done $0x0  }
0x53: {  	s26 =	sadd.s32 $0xC580, s25;
	[sflag:s11] =	ssyncadd.s32 $0xFFFFF800  }
0x54: {  	[spmem:s1] =	stream.indirect.scatter.add.f32 [tilespmem:s18], [sflag:$0x1], $0x10, s26, s14, $0xb8;
	[tilespmem:$0x16780] =	vst v63  }
0x55: {  	_ =	swait.ge [sflag:s11], $0x800  }
0x56: {  	[sflag:s11] =	ssyncset.done $0x0  }
0x57: {  	s26 =	sadd.s32 $0xC600, s25;
	[sflag:s11] =	ssyncadd.s32 $0xFFFFF800  }
0x58: {  	[spmem:s1] =	stream.indirect.scatter.add.f32 [tilespmem:s19], [sflag:$0x1], $0x10, s26, s14, $0xb8;
	[tilespmem:$0x16780] =	vst v63  }
0x59: {  	_ =	swait.ge [sflag:s11], $0x800  }
0x5a: {  	[sflag:s11] =	ssyncset.done $0x0  }
0x5b: {  	s26 =	sadd.s32 $0xC680, s25;
	[sflag:s11] =	ssyncadd.s32 $0xFFFFF800  }
0x5c: {  	[spmem:s1] =	stream.indirect.scatter.add.f32 [tilespmem:s20], [sflag:$0x1], $0x10, s26, s14, $0xb8;
	[tilespmem:$0x16780] =	vst v63  }
0x5d: {  	_ =	swait.ge [sflag:s11], $0x800  }
.Ltmp0:
0x5e: {  	[sflag:s11] =	ssyncset.done $0x0;
	(pc) =	sbr.rel @p0 .LBB2_2-.Ltmp0, $4  }
0x5f: {  	s25 =	sadd.s32 $0xC700, s25;
	[sflag:s11] =	ssyncadd.s32 $0xFFFFF800  }
0x60: {  	[spmem:s1] =	stream.indirect.scatter.add.f32 [tilespmem:s21], [sflag:$0x1], $0x10, s25, s14, $0xb8;
	[tilespmem:$0x16780] =	vst v63  }
0x61: {  	_ =	swait.ge [sflag:s11], $0x800  }
0x62: {  	[sflag:s11] =	ssyncset.done $0x0  }
0x63: {  	s22 =	sadd.s32 $0x1, s22  }
0x64: {  	[sflag:s11] =	ssyncadd.s32 $0xFFFFF800;
	p0 =	sne.s32 s22, s8  }
.Ltmp1:
0x65: {  	[bflag:$0x0] =	sbarrier.arrive $0xFFFF;
	(pc) =	sbr.rel @p0 .LBB2_1-.Ltmp1, $4  }
0x66: {  	[hbm:s7], [sflag:s5] =	dma.local [spmem:s10], $0x1870  }
0x67: {  	_ =	swait.ge [sflag:s11], $0x1870  }
0x68: {  	[sflag:s11] =	ssyncset.done $0x0  }
0x69: {  	[sflag:s11] =	ssyncadd.s32 $0xFFFFE790  }
0x6a: {  	_ =	sfence.sel $0x180000  }
0x6b: {  	[bflag:$0x0] =	sbarrier.arrive $0xFFFF  }
0x6c: {  	p0 =	sne.s32 s2, $0x0;
	_ =	strace $0x9000004A  }
0x6d: {  	s0 =	sadd.s32 @!p0 $0x100000, s0;
	[bflag:$0x2] =	sbarrier.arrive $0xFFFF  }
0x6e: {  	[sflag:s0] =	ssyncadd.tile.s32 @!p0 $0x1;
	_ =	shalt  }
.Lfunc_end2:
_tile_overlayer_lowered:
.L_overlay_start_2:
0x6f: {  	(tag) =	ssettag $0x2  }
0x70: {  	s0 =	rddreg [dreg:$0x0];
	s2 =	stileid.u32  }
0x71: {  	s1 =	rddreg [dreg:$0x1];
	p0 =	sne.s32 s2, $0x0  }
0x72: {  	s3 =	rddreg [dreg:$0x2];
	[bflag:$0x3] =	sbarrier.arrive $0xFFFF;
	s2 =	simm.s32 @!p0 $0x1C01  }
0x73: {  	[timem:s3], [sflag:s2] =	dma.local @!p0 [hbm:s0], s1  }
0x74: {  	s0 =	simm.s32 @!p0 $0x1  }
0x75: {  	_ =	swait.ge @!p0 [sflag:s0], s1  }
0x76: {  	s1 =	ssub.s32 @!p0 $0x0, s1;
	[sflag:s0] =	ssyncset.done @!p0 $0x0  }
0x77: {  	[sflag:s0] =	ssyncadd.s32 @!p0 s1  }
0x78: {  	[bflag:$0x3] =	sbarrier.arrive $0xFFFF  }
0x79: {  	_ =	shalt  }

</sc_bundles>
